<compile_context>
chip_gen: v7x
topology: tpu7x:2x2x1
jax: 0.10.2.dev20260603
libtpu: 0.0.44.dev20260713+nightly
codegen_flags: <defaults>
</compile_context>

<pallas_src>
import functools

import jax
import jax.numpy as jnp
from jax import lax
from jax.experimental import pallas as pl
from jax.experimental.pallas import tpu as pltpu
from jax.experimental.pallas import tpu_sc as plsc

DIM = 64
BATCH = 16384
NC = 2
NS = 16
L = 16
NW = NC * NS
BPW = BATCH // NW
C = 128
NCH = BPW // C
VPR = DIM // L

_mesh = plsc.VectorSubcoreMesh(
    core_axis_name="c", subcore_axis_name="s", num_cores=NC, num_subcores=NS
)


@functools.partial(
    pl.kernel,
    out_type=jax.ShapeDtypeStruct((NW, 2, L), jnp.float32),
    mesh=_mesh,
    scratch_types=[
        pltpu.VMEM((NCH, C), jnp.int32),
        pltpu.VMEM((NCH, C), jnp.int32),
        pltpu.VMEM((NCH, C), jnp.int32),
        pltpu.VMEM((NCH, C), jnp.int32),
        pltpu.VMEM((C, DIM), jnp.float32),
        pltpu.VMEM((C, DIM), jnp.float32),
        pltpu.VMEM((C, DIM), jnp.float32),
        pltpu.VMEM((C, DIM), jnp.float32),
        pltpu.VMEM((2, L), jnp.float32),
        pltpu.SemaphoreType.DMA,
    ],
    compiler_params=pltpu.CompilerParams(
        use_tc_tiling_on_sc=False, skip_device_barrier=True
    ),
)
def _w2v_partials(iw_hbm, ow_hbm, inw_hbm, onw_hbm, itab_hbm, otab_hbm,
                  out_hbm, idx_i, idx_o, idx_in, idx_on, ri, ro, rin, ron,
                  ob, sem):
    wid = lax.axis_index("s") * NC + lax.axis_index("c")

    pltpu.sync_copy(iw_hbm.at[wid], idx_i)
    pltpu.sync_copy(ow_hbm.at[wid], idx_o)
    pltpu.sync_copy(inw_hbm.at[wid], idx_in)
    pltpu.sync_copy(onw_hbm.at[wid], idx_on)

    zeros = jnp.zeros((L,), jnp.float32)
    acc1 = [zeros] * VPR
    acc2 = [zeros] * VPR

    for j in range(NCH):
        cps = [
            pltpu.async_copy(itab_hbm.at[idx_i.at[j]], ri, sem),
            pltpu.async_copy(otab_hbm.at[idx_o.at[j]], ro, sem),
            pltpu.async_copy(itab_hbm.at[idx_in.at[j]], rin, sem),
            pltpu.async_copy(otab_hbm.at[idx_on.at[j]], ron, sem),
        ]
        for cp in cps:
            cp.wait()

        def row_body(r, accs):
            a1, a2 = accs
            a1 = tuple(
                a1[p] + ri[r, pl.ds(p * L, L)] * ro[r, pl.ds(p * L, L)]
                for p in range(VPR)
            )
            a2 = tuple(
                a2[p] + rin[r, pl.ds(p * L, L)] * ron[r, pl.ds(p * L, L)]
                for p in range(VPR)
            )
            return (a1, a2)

        acc1, acc2 = lax.fori_loop(0, C, row_body, (tuple(acc1), tuple(acc2)))

    t1 = (acc1[0] + acc1[1]) + (acc1[2] + acc1[3])
    t2 = (acc2[0] + acc2[1]) + (acc2[2] + acc2[3])
    ob[0, :] = t1
    ob[1, :] = t2
    pltpu.sync_copy(ob, out_hbm.at[wid])


def kernel(iword, oword, inword, onword, ivectors_table, ovectors_table):
    iw = iword.reshape(NW, NCH, C)
    ow = oword.reshape(NW, NCH, C)
    inw = inword.reshape(NW, NCH, C)
    onw = onword.reshape(NW, NCH, C)
    parts = _w2v_partials(iw, ow, inw, onw, ivectors_table, ovectors_table)
    s1 = parts[:, 0, :].sum()
    s2 = parts[:, 1, :].sum()
    oloss = jnp.log(jnp.clip(jax.nn.sigmoid(s1), 1e-12, 1.0))
    nloss = jnp.log(jnp.clip(jax.nn.sigmoid(-s2), 1e-12, 1.0))
    return -(oloss + nloss)

# --- scband reference (transcript-rebuilt; emitter-appended) ---
"""Pipeline reference for scband-word2-vec-quadlet-loss-19679540150970 (READ-ONLY COPY).

The authoritative reference and input builder live on the scoring server;
editing this copy changes nothing except your own understanding.
"""

import jax, jax.numpy as jnp
import numpy as np

VOCAB = 1000000
DIM = 64
BATCH = 16384

def setup_inputs(seed: int = 0) -> dict:
    key = jax.random.key(seed)
    k1, k2, k3, k4, k5, k6 = jax.random.split(key, 6)
    iword = jax.random.randint(k1, (BATCH,), 0, VOCAB, dtype=jnp.int64 if jax.config.jax_enable_x64 else jnp.int32).astype(jnp.int32)
    oword = jax.random.randint(k2, (BATCH,), 0, VOCAB).astype(jnp.int32)
    inword = jax.random.randint(k3, (BATCH,), 0, VOCAB).astype(jnp.int32)
    onword = jax.random.randint(k4, (BATCH,), 0, VOCAB).astype(jnp.int32)
    # learned parameters: inner (input) and outer (output) embedding tables
    ivectors_table = jax.random.normal(k5, (VOCAB, DIM), dtype=jnp.float32) * 0.01
    ovectors_table = jax.random.normal(k6, (VOCAB, DIM), dtype=jnp.float32) * 0.01
    return {
        "iword": iword,
        "oword": oword,
        "inword": inword,
        "onword": onword,
        "ivectors_table": ivectors_table,
        "ovectors_table": ovectors_table,
    }

def reference(iword, oword, inword, onword, ivectors_table, ovectors_table):
    # embedding.forward(idx, inner=True)  -> inner table gather
    # embedding.forward(idx, inner=False) -> outer table gather
    ivectors = jnp.take(ivectors_table, iword, axis=0)
    ovectors = jnp.take(ovectors_table, oword, axis=0)
    invectors = jnp.take(ivectors_table, inword, axis=0)
    onvectors = jnp.take(ovectors_table, onword, axis=0)
    # faithful to torch: .sum() over ALL elements, then sigmoid, clamp, log
    oloss = jnp.log(jnp.clip(jax.nn.sigmoid((ovectors * ivectors).sum()), 1e-12, 1.0))
    nloss = jnp.log(jnp.clip(jax.nn.sigmoid((-invectors * onvectors).sum()), 1e-12, 1.0))
    return -(oloss + nloss)

if __name__ == "__main__":
    import jax
    _d = setup_inputs()
    print(jax.jit(kernel)(*tuple(_d.values())))

</pallas_src>

<mosaic_0001>
#map = affine_map<(d0, d1) -> (0, 0, 0)>
#map1 = affine_map<(d0, d1) -> (0, 0)>
module attributes {stable_mosaic.version = 14 : i64} {
  func.func @_w2v_partials(%arg0: i32, %arg1: i32, %arg2: memref<32x4x128xi32, #tpu.memory_space<hbm>>, %arg3: memref<32x4x128xi32, #tpu.memory_space<hbm>>, %arg4: memref<32x4x128xi32, #tpu.memory_space<hbm>>, %arg5: memref<32x4x128xi32, #tpu.memory_space<hbm>>, %arg6: memref<1000000x64xf32, #tpu.memory_space<hbm>>, %arg7: memref<1000000x64xf32, #tpu.memory_space<hbm>>, %arg8: memref<32x2x16xf32, #tpu.memory_space<hbm>>, %arg9: memref<4x128xi32, #tpu.memory_space<vmem>>, %arg10: memref<4x128xi32, #tpu.memory_space<vmem>>, %arg11: memref<4x128xi32, #tpu.memory_space<vmem>>, %arg12: memref<4x128xi32, #tpu.memory_space<vmem>>, %arg13: memref<128x64xf32, #tpu.memory_space<vmem>>, %arg14: memref<128x64xf32, #tpu.memory_space<vmem>>, %arg15: memref<128x64xf32, #tpu.memory_space<vmem>>, %arg16: memref<128x64xf32, #tpu.memory_space<vmem>>, %arg17: memref<2x16xf32, #tpu.memory_space<vmem>>, %arg18: memref<!tpu.dma_semaphore, #tpu.memory_space<semaphore_mem>>) attributes {dimension_semantics = [#tpu.dimension_semantics<core_parallel>, #tpu.dimension_semantics<subcore_parallel>], iteration_bounds = array<i64: 2, 16>, scalar_prefetch = 0 : i64, scratch_operands = 10 : i64, tpu.core_type = #tpu.core_type<sc_vector_subcore>, window_params = [{transform_indices = #map}, {transform_indices = #map}, {transform_indices = #map}, {transform_indices = #map}, {transform_indices = #map1}, {transform_indices = #map1}, {transform_indices = #map}]} {
    %mul3A = arith.constant 2 : i32
    %mul3A_0 = arith.muli %arg1, %mul3A : i32
    %add3A = arith.addi %mul3A_0, %arg0 : i32
    "tpu.region"() ({
      %run_scoped3A = tpu.sem_alloc : memref<!tpu.dma_semaphore, #tpu.memory_space<semaphore_mem>>
      %dma_start3A_264 = arith.constant 0 : i32
      %dma_start3A_265 = arith.constant 0 : i32
      %dma_start3A_266 = tpu.memref_slice %arg2[%add3A, %dma_start3A_264, %dma_start3A_265] : memref<32x4x128xi32, #tpu.memory_space<hbm>> -> memref<1x4x128xi32, #tpu.memory_space<hbm>>
      %dma_start3A_267 = tpu.memref_squeeze %dma_start3A_266 : memref<1x4x128xi32, #tpu.memory_space<hbm>> -> memref<4x128xi32, #tpu.memory_space<hbm>>
      %dma_start3A_268 = arith.constant 0 : i32
      %dma_start3A_269 = arith.constant 0 : i32
      %dma_start3A_270 = tpu.memref_slice %arg2[%add3A, %dma_start3A_268, %dma_start3A_269] : memref<32x4x128xi32, #tpu.memory_space<hbm>> -> memref<1x4x128xi32, #tpu.memory_space<hbm>>
      %dma_start3A_271 = tpu.memref_squeeze %dma_start3A_270 : memref<1x4x128xi32, #tpu.memory_space<hbm>> -> memref<4x128xi32, #tpu.memory_space<hbm>>
      tpu.enqueue_dma source(%dma_start3A_271 : memref<4x128xi32, #tpu.memory_space<hbm>>) target(%arg9 : memref<4x128xi32, #tpu.memory_space<vmem>>) target_semaphore(%run_scoped3A : memref<!tpu.dma_semaphore, #tpu.memory_space<semaphore_mem>>)
      %dma_wait3A_272 = arith.constant 0 : i32
      %dma_wait3A_273 = arith.constant 0 : i32
      %dma_wait3A_274 = tpu.memref_slice %arg2[%add3A, %dma_wait3A_272, %dma_wait3A_273] : memref<32x4x128xi32, #tpu.memory_space<hbm>> -> memref<1x4x128xi32, #tpu.memory_space<hbm>>
      %dma_wait3A_275 = tpu.memref_squeeze %dma_wait3A_274 : memref<1x4x128xi32, #tpu.memory_space<hbm>> -> memref<4x128xi32, #tpu.memory_space<hbm>>
      %dma_wait3A_276 = arith.constant 0 : i32
      %dma_wait3A_277 = arith.constant 0 : i32
      %dma_wait3A_278 = tpu.memref_slice %arg2[%add3A, %dma_wait3A_276, %dma_wait3A_277] : memref<32x4x128xi32, #tpu.memory_space<hbm>> -> memref<1x4x128xi32, #tpu.memory_space<hbm>>
      %dma_wait3A_279 = tpu.memref_squeeze %dma_wait3A_278 : memref<1x4x128xi32, #tpu.memory_space<hbm>> -> memref<4x128xi32, #tpu.memory_space<hbm>>
      tpu.wait_dma2 semaphore(%run_scoped3A : memref<!tpu.dma_semaphore, #tpu.memory_space<semaphore_mem>>) src(%dma_wait3A_279 : memref<4x128xi32, #tpu.memory_space<hbm>>) dst(%arg9 : memref<4x128xi32, #tpu.memory_space<vmem>>)
      tpu.yield
    }) : () -> ()
    "tpu.region"() ({
      %run_scoped3A = tpu.sem_alloc : memref<!tpu.dma_semaphore, #tpu.memory_space<semaphore_mem>>
      %dma_start3A_264 = arith.constant 0 : i32
      %dma_start3A_265 = arith.constant 0 : i32
      %dma_start3A_266 = tpu.memref_slice %arg3[%add3A, %dma_start3A_264, %dma_start3A_265] : memref<32x4x128xi32, #tpu.memory_space<hbm>> -> memref<1x4x128xi32, #tpu.memory_space<hbm>>
      %dma_start3A_267 = tpu.memref_squeeze %dma_start3A_266 : memref<1x4x128xi32, #tpu.memory_space<hbm>> -> memref<4x128xi32, #tpu.memory_space<hbm>>
      %dma_start3A_268 = arith.constant 0 : i32
      %dma_start3A_269 = arith.constant 0 : i32
      %dma_start3A_270 = tpu.memref_slice %arg3[%add3A, %dma_start3A_268, %dma_start3A_269] : memref<32x4x128xi32, #tpu.memory_space<hbm>> -> memref<1x4x128xi32, #tpu.memory_space<hbm>>
      %dma_start3A_271 = tpu.memref_squeeze %dma_start3A_270 : memref<1x4x128xi32, #tpu.memory_space<hbm>> -> memref<4x128xi32, #tpu.memory_space<hbm>>
      tpu.enqueue_dma source(%dma_start3A_271 : memref<4x128xi32, #tpu.memory_space<hbm>>) target(%arg10 : memref<4x128xi32, #tpu.memory_space<vmem>>) target_semaphore(%run_scoped3A : memref<!tpu.dma_semaphore, #tpu.memory_space<semaphore_mem>>)
      %dma_wait3A_272 = arith.constant 0 : i32
      %dma_wait3A_273 = arith.constant 0 : i32
      %dma_wait3A_274 = tpu.memref_slice %arg3[%add3A, %dma_wait3A_272, %dma_wait3A_273] : memref<32x4x128xi32, #tpu.memory_space<hbm>> -> memref<1x4x128xi32, #tpu.memory_space<hbm>>
      %dma_wait3A_275 = tpu.memref_squeeze %dma_wait3A_274 : memref<1x4x128xi32, #tpu.memory_space<hbm>> -> memref<4x128xi32, #tpu.memory_space<hbm>>
      %dma_wait3A_276 = arith.constant 0 : i32
      %dma_wait3A_277 = arith.constant 0 : i32
      %dma_wait3A_278 = tpu.memref_slice %arg3[%add3A, %dma_wait3A_276, %dma_wait3A_277] : memref<32x4x128xi32, #tpu.memory_space<hbm>> -> memref<1x4x128xi32, #tpu.memory_space<hbm>>
      %dma_wait3A_279 = tpu.memref_squeeze %dma_wait3A_278 : memref<1x4x128xi32, #tpu.memory_space<hbm>> -> memref<4x128xi32, #tpu.memory_space<hbm>>
      tpu.wait_dma2 semaphore(%run_scoped3A : memref<!tpu.dma_semaphore, #tpu.memory_space<semaphore_mem>>) src(%dma_wait3A_279 : memref<4x128xi32, #tpu.memory_space<hbm>>) dst(%arg10 : memref<4x128xi32, #tpu.memory_space<vmem>>)
      tpu.yield
    }) : () -> ()
    "tpu.region"() ({
      %run_scoped3A = tpu.sem_alloc : memref<!tpu.dma_semaphore, #tpu.memory_space<semaphore_mem>>
      %dma_start3A_264 = arith.constant 0 : i32
      %dma_start3A_265 = arith.constant 0 : i32
      %dma_start3A_266 = tpu.memref_slice %arg4[%add3A, %dma_start3A_264, %dma_start3A_265] : memref<32x4x128xi32, #tpu.memory_space<hbm>> -> memref<1x4x128xi32, #tpu.memory_space<hbm>>
      %dma_start3A_267 = tpu.memref_squeeze %dma_start3A_266 : memref<1x4x128xi32, #tpu.memory_space<hbm>> -> memref<4x128xi32, #tpu.memory_space<hbm>>
      %dma_start3A_268 = arith.constant 0 : i32
      %dma_start3A_269 = arith.constant 0 : i32
      %dma_start3A_270 = tpu.memref_slice %arg4[%add3A, %dma_start3A_268, %dma_start3A_269] : memref<32x4x128xi32, #tpu.memory_space<hbm>> -> memref<1x4x128xi32, #tpu.memory_space<hbm>>
      %dma_start3A_271 = tpu.memref_squeeze %dma_start3A_270 : memref<1x4x128xi32, #tpu.memory_space<hbm>> -> memref<4x128xi32, #tpu.memory_space<hbm>>
      tpu.enqueue_dma source(%dma_start3A_271 : memref<4x128xi32, #tpu.memory_space<hbm>>) target(%arg11 : memref<4x128xi32, #tpu.memory_space<vmem>>) target_semaphore(%run_scoped3A : memref<!tpu.dma_semaphore, #tpu.memory_space<semaphore_mem>>)
      %dma_wait3A_272 = arith.constant 0 : i32
      %dma_wait3A_273 = arith.constant 0 : i32
      %dma_wait3A_274 = tpu.memref_slice %arg4[%add3A, %dma_wait3A_272, %dma_wait3A_273] : memref<32x4x128xi32, #tpu.memory_space<hbm>> -> memref<1x4x128xi32, #tpu.memory_space<hbm>>
      %dma_wait3A_275 = tpu.memref_squeeze %dma_wait3A_274 : memref<1x4x128xi32, #tpu.memory_space<hbm>> -> memref<4x128xi32, #tpu.memory_space<hbm>>
      %dma_wait3A_276 = arith.constant 0 : i32
      %dma_wait3A_277 = arith.constant 0 : i32
      %dma_wait3A_278 = tpu.memref_slice %arg4[%add3A, %dma_wait3A_276, %dma_wait3A_277] : memref<32x4x128xi32, #tpu.memory_space<hbm>> -> memref<1x4x128xi32, #tpu.memory_space<hbm>>
      %dma_wait3A_279 = tpu.memref_squeeze %dma_wait3A_278 : memref<1x4x128xi32, #tpu.memory_space<hbm>> -> memref<4x128xi32, #tpu.memory_space<hbm>>
      tpu.wait_dma2 semaphore(%run_scoped3A : memref<!tpu.dma_semaphore, #tpu.memory_space<semaphore_mem>>) src(%dma_wait3A_279 : memref<4x128xi32, #tpu.memory_space<hbm>>) dst(%arg11 : memref<4x128xi32, #tpu.memory_space<vmem>>)
      tpu.yield
    }) : () -> ()
    "tpu.region"() ({
      %run_scoped3A = tpu.sem_alloc : memref<!tpu.dma_semaphore, #tpu.memory_space<semaphore_mem>>
      %dma_start3A_264 = arith.constant 0 : i32
      %dma_start3A_265 = arith.constant 0 : i32
      %dma_start3A_266 = tpu.memref_slice %arg5[%add3A, %dma_start3A_264, %dma_start3A_265] : memref<32x4x128xi32, #tpu.memory_space<hbm>> -> memref<1x4x128xi32, #tpu.memory_space<hbm>>
      %dma_start3A_267 = tpu.memref_squeeze %dma_start3A_266 : memref<1x4x128xi32, #tpu.memory_space<hbm>> -> memref<4x128xi32, #tpu.memory_space<hbm>>
      %dma_start3A_268 = arith.constant 0 : i32
      %dma_start3A_269 = arith.constant 0 : i32
      %dma_start3A_270 = tpu.memref_slice %arg5[%add3A, %dma_start3A_268, %dma_start3A_269] : memref<32x4x128xi32, #tpu.memory_space<hbm>> -> memref<1x4x128xi32, #tpu.memory_space<hbm>>
      %dma_start3A_271 = tpu.memref_squeeze %dma_start3A_270 : memref<1x4x128xi32, #tpu.memory_space<hbm>> -> memref<4x128xi32, #tpu.memory_space<hbm>>
      tpu.enqueue_dma source(%dma_start3A_271 : memref<4x128xi32, #tpu.memory_space<hbm>>) target(%arg12 : memref<4x128xi32, #tpu.memory_space<vmem>>) target_semaphore(%run_scoped3A : memref<!tpu.dma_semaphore, #tpu.memory_space<semaphore_mem>>)
      %dma_wait3A_272 = arith.constant 0 : i32
      %dma_wait3A_273 = arith.constant 0 : i32
      %dma_wait3A_274 = tpu.memref_slice %arg5[%add3A, %dma_wait3A_272, %dma_wait3A_273] : memref<32x4x128xi32, #tpu.memory_space<hbm>> -> memref<1x4x128xi32, #tpu.memory_space<hbm>>
      %dma_wait3A_275 = tpu.memref_squeeze %dma_wait3A_274 : memref<1x4x128xi32, #tpu.memory_space<hbm>> -> memref<4x128xi32, #tpu.memory_space<hbm>>
      %dma_wait3A_276 = arith.constant 0 : i32
      %dma_wait3A_277 = arith.constant 0 : i32
      %dma_wait3A_278 = tpu.memref_slice %arg5[%add3A, %dma_wait3A_276, %dma_wait3A_277] : memref<32x4x128xi32, #tpu.memory_space<hbm>> -> memref<1x4x128xi32, #tpu.memory_space<hbm>>
      %dma_wait3A_279 = tpu.memref_squeeze %dma_wait3A_278 : memref<1x4x128xi32, #tpu.memory_space<hbm>> -> memref<4x128xi32, #tpu.memory_space<hbm>>
      tpu.wait_dma2 semaphore(%run_scoped3A : memref<!tpu.dma_semaphore, #tpu.memory_space<semaphore_mem>>) src(%dma_wait3A_279 : memref<4x128xi32, #tpu.memory_space<hbm>>) dst(%arg12 : memref<4x128xi32, #tpu.memory_space<vmem>>)
      tpu.yield
    }) : () -> ()
    %broadcast_in_dim3A = arith.constant 0.000000e+00 : f32
    %broadcast_in_dim3A_1 = vector.broadcast %broadcast_in_dim3A : f32 to vector<16xf32>
    %dma_start3A = arith.constant 0 : i32
    %dma_start3A_2 = arith.constant 0 : i32
    %dma_start3A_3 = tpu.memref_slice %arg9[%dma_start3A, %dma_start3A_2] : memref<4x128xi32, #tpu.memory_space<vmem>> -> memref<1x128xi32, #tpu.memory_space<vmem>>
    %dma_start3A_4 = tpu.memref_squeeze %dma_start3A_3 : memref<1x128xi32, #tpu.memory_space<vmem>> -> memref<128xi32, #tpu.memory_space<vmem>>
    %dma_start3A_5 = arith.constant 0 : i32
    %dma_start3A_6 = arith.constant 0 : i32
    %dma_start3A_7 = tpu.memref_slice %arg6[%dma_start3A_5, %dma_start3A_6] : memref<1000000x64xf32, #tpu.memory_space<hbm>> -> memref<1000000x64xf32, #tpu.memory_space<hbm>>
    tpu.enqueue_indirect_dma source(%dma_start3A_7 : memref<1000000x64xf32, #tpu.memory_space<hbm>>) target(%arg13 : memref<128x64xf32, #tpu.memory_space<vmem>>) offsets(%dma_start3A_4 : memref<128xi32, #tpu.memory_space<vmem>>) semaphore(%arg18 : memref<!tpu.dma_semaphore, #tpu.memory_space<semaphore_mem>>)
    %dma_start3A_8 = arith.constant 0 : i32
    %dma_start3A_9 = arith.constant 0 : i32
    %dma_start3A_10 = tpu.memref_slice %arg10[%dma_start3A_8, %dma_start3A_9] : memref<4x128xi32, #tpu.memory_space<vmem>> -> memref<1x128xi32, #tpu.memory_space<vmem>>
    %dma_start3A_11 = tpu.memref_squeeze %dma_start3A_10 : memref<1x128xi32, #tpu.memory_space<vmem>> -> memref<128xi32, #tpu.memory_space<vmem>>
    %dma_start3A_12 = arith.constant 0 : i32
    %dma_start3A_13 = arith.constant 0 : i32
    %dma_start3A_14 = tpu.memref_slice %arg7[%dma_start3A_12, %dma_start3A_13] : memref<1000000x64xf32, #tpu.memory_space<hbm>> -> memref<1000000x64xf32, #tpu.memory_space<hbm>>
    tpu.enqueue_indirect_dma source(%dma_start3A_14 : memref<1000000x64xf32, #tpu.memory_space<hbm>>) target(%arg14 : memref<128x64xf32, #tpu.memory_space<vmem>>) offsets(%dma_start3A_11 : memref<128xi32, #tpu.memory_space<vmem>>) semaphore(%arg18 : memref<!tpu.dma_semaphore, #tpu.memory_space<semaphore_mem>>)
    %dma_start3A_15 = arith.constant 0 : i32
    %dma_start3A_16 = arith.constant 0 : i32
    %dma_start3A_17 = tpu.memref_slice %arg11[%dma_start3A_15, %dma_start3A_16] : memref<4x128xi32, #tpu.memory_space<vmem>> -> memref<1x128xi32, #tpu.memory_space<vmem>>
    %dma_start3A_18 = tpu.memref_squeeze %dma_start3A_17 : memref<1x128xi32, #tpu.memory_space<vmem>> -> memref<128xi32, #tpu.memory_space<vmem>>
    %dma_start3A_19 = arith.constant 0 : i32
    %dma_start3A_20 = arith.constant 0 : i32
    %dma_start3A_21 = tpu.memref_slice %arg6[%dma_start3A_19, %dma_start3A_20] : memref<1000000x64xf32, #tpu.memory_space<hbm>> -> memref<1000000x64xf32, #tpu.memory_space<hbm>>
    tpu.enqueue_indirect_dma source(%dma_start3A_21 : memref<1000000x64xf32, #tpu.memory_space<hbm>>) target(%arg15 : memref<128x64xf32, #tpu.memory_space<vmem>>) offsets(%dma_start3A_18 : memref<128xi32, #tpu.memory_space<vmem>>) semaphore(%arg18 : memref<!tpu.dma_semaphore, #tpu.memory_space<semaphore_mem>>)
    %dma_start3A_22 = arith.constant 0 : i32
    %dma_start3A_23 = arith.constant 0 : i32
    %dma_start3A_24 = tpu.memref_slice %arg12[%dma_start3A_22, %dma_start3A_23] : memref<4x128xi32, #tpu.memory_space<vmem>> -> memref<1x128xi32, #tpu.memory_space<vmem>>
    %dma_start3A_25 = tpu.memref_squeeze %dma_start3A_24 : memref<1x128xi32, #tpu.memory_space<vmem>> -> memref<128xi32, #tpu.memory_space<vmem>>
    %dma_start3A_26 = arith.constant 0 : i32
    %dma_start3A_27 = arith.constant 0 : i32
    %dma_start3A_28 = tpu.memref_slice %arg7[%dma_start3A_26, %dma_start3A_27] : memref<1000000x64xf32, #tpu.memory_space<hbm>> -> memref<1000000x64xf32, #tpu.memory_space<hbm>>
    tpu.enqueue_indirect_dma source(%dma_start3A_28 : memref<1000000x64xf32, #tpu.memory_space<hbm>>) target(%arg16 : memref<128x64xf32, #tpu.memory_space<vmem>>) offsets(%dma_start3A_25 : memref<128xi32, #tpu.memory_space<vmem>>) semaphore(%arg18 : memref<!tpu.dma_semaphore, #tpu.memory_space<semaphore_mem>>)
    %dma_wait3A = arith.constant 0 : i32
    %dma_wait3A_29 = arith.constant 0 : i32
    %dma_wait3A_30 = tpu.memref_slice %arg9[%dma_wait3A, %dma_wait3A_29] : memref<4x128xi32, #tpu.memory_space<vmem>> -> memref<1x128xi32, #tpu.memory_space<vmem>>
    %dma_wait3A_31 = tpu.memref_squeeze %dma_wait3A_30 : memref<1x128xi32, #tpu.memory_space<vmem>> -> memref<128xi32, #tpu.memory_space<vmem>>
    %dma_wait3A_32 = arith.constant 0 : i32
    %dma_wait3A_33 = arith.constant 0 : i32
    %dma_wait3A_34 = tpu.memref_slice %arg6[%dma_wait3A_32, %dma_wait3A_33] : memref<1000000x64xf32, #tpu.memory_space<hbm>> -> memref<1000000x64xf32, #tpu.memory_space<hbm>>
    tpu.wait_indirect_dma semaphore(%arg18 : memref<!tpu.dma_semaphore, #tpu.memory_space<semaphore_mem>>) src(%dma_wait3A_34 : memref<1000000x64xf32, #tpu.memory_space<hbm>>) dst(%arg13 : memref<128x64xf32, #tpu.memory_space<vmem>>)
    %dma_wait3A_35 = arith.constant 0 : i32
    %dma_wait3A_36 = arith.constant 0 : i32
    %dma_wait3A_37 = tpu.memref_slice %arg10[%dma_wait3A_35, %dma_wait3A_36] : memref<4x128xi32, #tpu.memory_space<vmem>> -> memref<1x128xi32, #tpu.memory_space<vmem>>
    %dma_wait3A_38 = tpu.memref_squeeze %dma_wait3A_37 : memref<1x128xi32, #tpu.memory_space<vmem>> -> memref<128xi32, #tpu.memory_space<vmem>>
    %dma_wait3A_39 = arith.constant 0 : i32
    %dma_wait3A_40 = arith.constant 0 : i32
    %dma_wait3A_41 = tpu.memref_slice %arg7[%dma_wait3A_39, %dma_wait3A_40] : memref<1000000x64xf32, #tpu.memory_space<hbm>> -> memref<1000000x64xf32, #tpu.memory_space<hbm>>
    tpu.wait_indirect_dma semaphore(%arg18 : memref<!tpu.dma_semaphore, #tpu.memory_space<semaphore_mem>>) src(%dma_wait3A_41 : memref<1000000x64xf32, #tpu.memory_space<hbm>>) dst(%arg14 : memref<128x64xf32, #tpu.memory_space<vmem>>)
    %dma_wait3A_42 = arith.constant 0 : i32
    %dma_wait3A_43 = arith.constant 0 : i32
    %dma_wait3A_44 = tpu.memref_slice %arg11[%dma_wait3A_42, %dma_wait3A_43] : memref<4x128xi32, #tpu.memory_space<vmem>> -> memref<1x128xi32, #tpu.memory_space<vmem>>
    %dma_wait3A_45 = tpu.memref_squeeze %dma_wait3A_44 : memref<1x128xi32, #tpu.memory_space<vmem>> -> memref<128xi32, #tpu.memory_space<vmem>>
    %dma_wait3A_46 = arith.constant 0 : i32
    %dma_wait3A_47 = arith.constant 0 : i32
    %dma_wait3A_48 = tpu.memref_slice %arg6[%dma_wait3A_46, %dma_wait3A_47] : memref<1000000x64xf32, #tpu.memory_space<hbm>> -> memref<1000000x64xf32, #tpu.memory_space<hbm>>
    tpu.wait_indirect_dma semaphore(%arg18 : memref<!tpu.dma_semaphore, #tpu.memory_space<semaphore_mem>>) src(%dma_wait3A_48 : memref<1000000x64xf32, #tpu.memory_space<hbm>>) dst(%arg15 : memref<128x64xf32, #tpu.memory_space<vmem>>)
    %dma_wait3A_49 = arith.constant 0 : i32
    %dma_wait3A_50 = arith.constant 0 : i32
    %dma_wait3A_51 = tpu.memref_slice %arg12[%dma_wait3A_49, %dma_wait3A_50] : memref<4x128xi32, #tpu.memory_space<vmem>> -> memref<1x128xi32, #tpu.memory_space<vmem>>
    %dma_wait3A_52 = tpu.memref_squeeze %dma_wait3A_51 : memref<1x128xi32, #tpu.memory_space<vmem>> -> memref<128xi32, #tpu.memory_space<vmem>>
    %dma_wait3A_53 = arith.constant 0 : i32
    %dma_wait3A_54 = arith.constant 0 : i32
    %dma_wait3A_55 = tpu.memref_slice %arg7[%dma_wait3A_53, %dma_wait3A_54] : memref<1000000x64xf32, #tpu.memory_space<hbm>> -> memref<1000000x64xf32, #tpu.memory_space<hbm>>
    tpu.wait_indirect_dma semaphore(%arg18 : memref<!tpu.dma_semaphore, #tpu.memory_space<semaphore_mem>>) src(%dma_wait3A_55 : memref<1000000x64xf32, #tpu.memory_space<hbm>>) dst(%arg16 : memref<128x64xf32, #tpu.memory_space<vmem>>)
    %scan3A = arith.constant 0 : i32
    %scan3A_56 = arith.constant 128 : i32
    %scan3A_57 = arith.addi %scan3A, %scan3A_56 : i32
    %scan3A_58 = arith.constant 1 : i32
    %scan3A_59:8 = scf.for %scan3A_264 = %scan3A to %scan3A_57 step %scan3A_58 iter_args(%scan3A_265 = %broadcast_in_dim3A_1, %scan3A_266 = %broadcast_in_dim3A_1, %scan3A_267 = %broadcast_in_dim3A_1, %scan3A_268 = %broadcast_in_dim3A_1, %scan3A_269 = %broadcast_in_dim3A_1, %scan3A_270 = %broadcast_in_dim3A_1, %scan3A_271 = %broadcast_in_dim3A_1, %scan3A_272 = %broadcast_in_dim3A_1) -> (vector<16xf32>, vector<16xf32>, vector<16xf32>, vector<16xf32>, vector<16xf32>, vector<16xf32>, vector<16xf32>, vector<16xf32>)  : i32 {
      %get3A = arith.index_cast %scan3A_264 : i32 to index
      %get3A_273 = arith.constant 0 : index
      %get3A_274 = tpu.vector_load %arg13[%get3A, %get3A_273] {strides = array<i32>} : memref<128x64xf32, #tpu.memory_space<vmem>>, vector<1x16xf32>,
      %get3A_275 = vector.shape_cast %get3A_274 : vector<1x16xf32> to vector<16xf32>
      %get3A_276 = arith.index_cast %scan3A_264 : i32 to index
      %get3A_277 = arith.constant 0 : index
      %get3A_278 = tpu.vector_load %arg14[%get3A_276, %get3A_277] {strides = array<i32>} : memref<128x64xf32, #tpu.memory_space<vmem>>, vector<1x16xf32>,
      %get3A_279 = vector.shape_cast %get3A_278 : vector<1x16xf32> to vector<16xf32>
      %mul3A_280 = arith.mulf %get3A_275, %get3A_279 : vector<16xf32>
      %add3A_281 = arith.addf %scan3A_265, %mul3A_280 : vector<16xf32>
      %get3A_282 = arith.index_cast %scan3A_264 : i32 to index
      %get3A_283 = arith.constant 16 : index
      %get3A_284 = tpu.vector_load %arg13[%get3A_282, %get3A_283] {strides = array<i32>} : memref<128x64xf32, #tpu.memory_space<vmem>>, vector<1x16xf32>,
      %get3A_285 = vector.shape_cast %get3A_284 : vector<1x16xf32> to vector<16xf32>
      %get3A_286 = arith.index_cast %scan3A_264 : i32 to index
      %get3A_287 = arith.constant 16 : index
      %get3A_288 = tpu.vector_load %arg14[%get3A_286, %get3A_287] {strides = array<i32>} : memref<128x64xf32, #tpu.memory_space<vmem>>, vector<1x16xf32>,
      %get3A_289 = vector.shape_cast %get3A_288 : vector<1x16xf32> to vector<16xf32>
      %mul3A_290 = arith.mulf %get3A_285, %get3A_289 : vector<16xf32>
      %add3A_291 = arith.addf %scan3A_266, %mul3A_290 : vector<16xf32>
      %get3A_292 = arith.index_cast %scan3A_264 : i32 to index
      %get3A_293 = arith.constant 32 : index
      %get3A_294 = tpu.vector_load %arg13[%get3A_292, %get3A_293] {strides = array<i32>} : memref<128x64xf32, #tpu.memory_space<vmem>>, vector<1x16xf32>,
      %get3A_295 = vector.shape_cast %get3A_294 : vector<1x16xf32> to vector<16xf32>
      %get3A_296 = arith.index_cast %scan3A_264 : i32 to index
      %get3A_297 = arith.constant 32 : index
      %get3A_298 = tpu.vector_load %arg14[%get3A_296, %get3A_297] {strides = array<i32>} : memref<128x64xf32, #tpu.memory_space<vmem>>, vector<1x16xf32>,
      %get3A_299 = vector.shape_cast %get3A_298 : vector<1x16xf32> to vector<16xf32>
      %mul3A_300 = arith.mulf %get3A_295, %get3A_299 : vector<16xf32>
      %add3A_301 = arith.addf %scan3A_267, %mul3A_300 : vector<16xf32>
      %get3A_302 = arith.index_cast %scan3A_264 : i32 to index
      %get3A_303 = arith.constant 48 : index
      %get3A_304 = tpu.vector_load %arg13[%get3A_302, %get3A_303] {strides = array<i32>} : memref<128x64xf32, #tpu.memory_space<vmem>>, vector<1x16xf32>,
      %get3A_305 = vector.shape_cast %get3A_304 : vector<1x16xf32> to vector<16xf32>
      %get3A_306 = arith.index_cast %scan3A_264 : i32 to index
      %get3A_307 = arith.constant 48 : index
      %get3A_308 = tpu.vector_load %arg14[%get3A_306, %get3A_307] {strides = array<i32>} : memref<128x64xf32, #tpu.memory_space<vmem>>, vector<1x16xf32>,
      %get3A_309 = vector.shape_cast %get3A_308 : vector<1x16xf32> to vector<16xf32>
      %mul3A_310 = arith.mulf %get3A_305, %get3A_309 : vector<16xf32>
      %add3A_311 = arith.addf %scan3A_268, %mul3A_310 : vector<16xf32>
      %get3A_312 = arith.index_cast %scan3A_264 : i32 to index
      %get3A_313 = arith.constant 0 : index
      %get3A_314 = tpu.vector_load %arg15[%get3A_312, %get3A_313] {strides = array<i32>} : memref<128x64xf32, #tpu.memory_space<vmem>>, vector<1x16xf32>,
      %get3A_315 = vector.shape_cast %get3A_314 : vector<1x16xf32> to vector<16xf32>
      %get3A_316 = arith.index_cast %scan3A_264 : i32 to index
      %get3A_317 = arith.constant 0 : index
      %get3A_318 = tpu.vector_load %arg16[%get3A_316, %get3A_317] {strides = array<i32>} : memref<128x64xf32, #tpu.memory_space<vmem>>, vector<1x16xf32>,
      %get3A_319 = vector.shape_cast %get3A_318 : vector<1x16xf32> to vector<16xf32>
      %mul3A_320 = arith.mulf %get3A_315, %get3A_319 : vector<16xf32>
      %add3A_321 = arith.addf %scan3A_269, %mul3A_320 : vector<16xf32>
      %get3A_322 = arith.index_cast %scan3A_264 : i32 to index
      %get3A_323 = arith.constant 16 : index
      %get3A_324 = tpu.vector_load %arg15[%get3A_322, %get3A_323] {strides = array<i32>} : memref<128x64xf32, #tpu.memory_space<vmem>>, vector<1x16xf32>,
      %get3A_325 = vector.shape_cast %get3A_324 : vector<1x16xf32> to vector<16xf32>
      %get3A_326 = arith.index_cast %scan3A_264 : i32 to index
      %get3A_327 = arith.constant 16 : index
      %get3A_328 = tpu.vector_load %arg16[%get3A_326, %get3A_327] {strides = array<i32>} : memref<128x64xf32, #tpu.memory_space<vmem>>, vector<1x16xf32>,
      %get3A_329 = vector.shape_cast %get3A_328 : vector<1x16xf32> to vector<16xf32>
      %mul3A_330 = arith.mulf %get3A_325, %get3A_329 : vector<16xf32>
      %add3A_331 = arith.addf %scan3A_270, %mul3A_330 : vector<16xf32>
      %get3A_332 = arith.index_cast %scan3A_264 : i32 to index
      %get3A_333 = arith.constant 32 : index
      %get3A_334 = tpu.vector_load %arg15[%get3A_332, %get3A_333] {strides = array<i32>} : memref<128x64xf32, #tpu.memory_space<vmem>>, vector<1x16xf32>,
      %get3A_335 = vector.shape_cast %get3A_334 : vector<1x16xf32> to vector<16xf32>
      %get3A_336 = arith.index_cast %scan3A_264 : i32 to index
      %get3A_337 = arith.constant 32 : index
      %get3A_338 = tpu.vector_load %arg16[%get3A_336, %get3A_337] {strides = array<i32>} : memref<128x64xf32, #tpu.memory_space<vmem>>, vector<1x16xf32>,
      %get3A_339 = vector.shape_cast %get3A_338 : vector<1x16xf32> to vector<16xf32>
      %mul3A_340 = arith.mulf %get3A_335, %get3A_339 : vector<16xf32>
      %add3A_341 = arith.addf %scan3A_271, %mul3A_340 : vector<16xf32>
      %get3A_342 = arith.index_cast %scan3A_264 : i32 to index
      %get3A_343 = arith.constant 48 : index
      %get3A_344 = tpu.vector_load %arg15[%get3A_342, %get3A_343] {strides = array<i32>} : memref<128x64xf32, #tpu.memory_space<vmem>>, vector<1x16xf32>,
      %get3A_345 = vector.shape_cast %get3A_344 : vector<1x16xf32> to vector<16xf32>
      %get3A_346 = arith.index_cast %scan3A_264 : i32 to index
      %get3A_347 = arith.constant 48 : index
      %get3A_348 = tpu.vector_load %arg16[%get3A_346, %get3A_347] {strides = array<i32>} : memref<128x64xf32, #tpu.memory_space<vmem>>, vector<1x16xf32>,
      %get3A_349 = vector.shape_cast %get3A_348 : vector<1x16xf32> to vector<16xf32>
      %mul3A_350 = arith.mulf %get3A_345, %get3A_349 : vector<16xf32>
      %add3A_351 = arith.addf %scan3A_272, %mul3A_350 : vector<16xf32>
      scf.yield %add3A_281, %add3A_291, %add3A_301, %add3A_311, %add3A_321, %add3A_331, %add3A_341, %add3A_351 : vector<16xf32>, vector<16xf32>, vector<16xf32>, vector<16xf32>, vector<16xf32>, vector<16xf32>, vector<16xf32>, vector<16xf32>
    }
    %scan3A_60 = arith.constant 128 : i32
    %dma_start3A_61 = arith.constant 1 : i32
    %dma_start3A_62 = arith.constant 0 : i32
    %dma_start3A_63 = tpu.memref_slice %arg9[%dma_start3A_61, %dma_start3A_62] : memref<4x128xi32, #tpu.memory_space<vmem>> -> memref<1x128xi32, #tpu.memory_space<vmem>>
    %dma_start3A_64 = tpu.memref_squeeze %dma_start3A_63 : memref<1x128xi32, #tpu.memory_space<vmem>> -> memref<128xi32, #tpu.memory_space<vmem>>
    %dma_start3A_65 = arith.constant 0 : i32
    %dma_start3A_66 = arith.constant 0 : i32
    %dma_start3A_67 = tpu.memref_slice %arg6[%dma_start3A_65, %dma_start3A_66] : memref<1000000x64xf32, #tpu.memory_space<hbm>> -> memref<1000000x64xf32, #tpu.memory_space<hbm>>
    tpu.enqueue_indirect_dma source(%dma_start3A_67 : memref<1000000x64xf32, #tpu.memory_space<hbm>>) target(%arg13 : memref<128x64xf32, #tpu.memory_space<vmem>>) offsets(%dma_start3A_64 : memref<128xi32, #tpu.memory_space<vmem>>) semaphore(%arg18 : memref<!tpu.dma_semaphore, #tpu.memory_space<semaphore_mem>>)
    %dma_start3A_68 = arith.constant 1 : i32
    %dma_start3A_69 = arith.constant 0 : i32
    %dma_start3A_70 = tpu.memref_slice %arg10[%dma_start3A_68, %dma_start3A_69] : memref<4x128xi32, #tpu.memory_space<vmem>> -> memref<1x128xi32, #tpu.memory_space<vmem>>
    %dma_start3A_71 = tpu.memref_squeeze %dma_start3A_70 : memref<1x128xi32, #tpu.memory_space<vmem>> -> memref<128xi32, #tpu.memory_space<vmem>>
    %dma_start3A_72 = arith.constant 0 : i32
    %dma_start3A_73 = arith.constant 0 : i32
    %dma_start3A_74 = tpu.memref_slice %arg7[%dma_start3A_72, %dma_start3A_73] : memref<1000000x64xf32, #tpu.memory_space<hbm>> -> memref<1000000x64xf32, #tpu.memory_space<hbm>>
    tpu.enqueue_indirect_dma source(%dma_start3A_74 : memref<1000000x64xf32, #tpu.memory_space<hbm>>) target(%arg14 : memref<128x64xf32, #tpu.memory_space<vmem>>) offsets(%dma_start3A_71 : memref<128xi32, #tpu.memory_space<vmem>>) semaphore(%arg18 : memref<!tpu.dma_semaphore, #tpu.memory_space<semaphore_mem>>)
    %dma_start3A_75 = arith.constant 1 : i32
    %dma_start3A_76 = arith.constant 0 : i32
    %dma_start3A_77 = tpu.memref_slice %arg11[%dma_start3A_75, %dma_start3A_76] : memref<4x128xi32, #tpu.memory_space<vmem>> -> memref<1x128xi32, #tpu.memory_space<vmem>>
    %dma_start3A_78 = tpu.memref_squeeze %dma_start3A_77 : memref<1x128xi32, #tpu.memory_space<vmem>> -> memref<128xi32, #tpu.memory_space<vmem>>
    %dma_start3A_79 = arith.constant 0 : i32
    %dma_start3A_80 = arith.constant 0 : i32
    %dma_start3A_81 = tpu.memref_slice %arg6[%dma_start3A_79, %dma_start3A_80] : memref<1000000x64xf32, #tpu.memory_space<hbm>> -> memref<1000000x64xf32, #tpu.memory_space<hbm>>
    tpu.enqueue_indirect_dma source(%dma_start3A_81 : memref<1000000x64xf32, #tpu.memory_space<hbm>>) target(%arg15 : memref<128x64xf32, #tpu.memory_space<vmem>>) offsets(%dma_start3A_78 : memref<128xi32, #tpu.memory_space<vmem>>) semaphore(%arg18 : memref<!tpu.dma_semaphore, #tpu.memory_space<semaphore_mem>>)
    %dma_start3A_82 = arith.constant 1 : i32
    %dma_start3A_83 = arith.constant 0 : i32
    %dma_start3A_84 = tpu.memref_slice %arg12[%dma_start3A_82, %dma_start3A_83] : memref<4x128xi32, #tpu.memory_space<vmem>> -> memref<1x128xi32, #tpu.memory_space<vmem>>
    %dma_start3A_85 = tpu.memref_squeeze %dma_start3A_84 : memref<1x128xi32, #tpu.memory_space<vmem>> -> memref<128xi32, #tpu.memory_space<vmem>>
    %dma_start3A_86 = arith.constant 0 : i32
    %dma_start3A_87 = arith.constant 0 : i32
    %dma_start3A_88 = tpu.memref_slice %arg7[%dma_start3A_86, %dma_start3A_87] : memref<1000000x64xf32, #tpu.memory_space<hbm>> -> memref<1000000x64xf32, #tpu.memory_space<hbm>>
    tpu.enqueue_indirect_dma source(%dma_start3A_88 : memref<1000000x64xf32, #tpu.memory_space<hbm>>) target(%arg16 : memref<128x64xf32, #tpu.memory_space<vmem>>) offsets(%dma_start3A_85 : memref<128xi32, #tpu.memory_space<vmem>>) semaphore(%arg18 : memref<!tpu.dma_semaphore, #tpu.memory_space<semaphore_mem>>)
    %dma_wait3A_89 = arith.constant 1 : i32
    %dma_wait3A_90 = arith.constant 0 : i32
    %dma_wait3A_91 = tpu.memref_slice %arg9[%dma_wait3A_89, %dma_wait3A_90] : memref<4x128xi32, #tpu.memory_space<vmem>> -> memref<1x128xi32, #tpu.memory_space<vmem>>
    %dma_wait3A_92 = tpu.memref_squeeze %dma_wait3A_91 : memref<1x128xi32, #tpu.memory_space<vmem>> -> memref<128xi32, #tpu.memory_space<vmem>>
    %dma_wait3A_93 = arith.constant 0 : i32
    %dma_wait3A_94 = arith.constant 0 : i32
    %dma_wait3A_95 = tpu.memref_slice %arg6[%dma_wait3A_93, %dma_wait3A_94] : memref<1000000x64xf32, #tpu.memory_space<hbm>> -> memref<1000000x64xf32, #tpu.memory_space<hbm>>
    tpu.wait_indirect_dma semaphore(%arg18 : memref<!tpu.dma_semaphore, #tpu.memory_space<semaphore_mem>>) src(%dma_wait3A_95 : memref<1000000x64xf32, #tpu.memory_space<hbm>>) dst(%arg13 : memref<128x64xf32, #tpu.memory_space<vmem>>)
    %dma_wait3A_96 = arith.constant 1 : i32
    %dma_wait3A_97 = arith.constant 0 : i32
    %dma_wait3A_98 = tpu.memref_slice %arg10[%dma_wait3A_96, %dma_wait3A_97] : memref<4x128xi32, #tpu.memory_space<vmem>> -> memref<1x128xi32, #tpu.memory_space<vmem>>
    %dma_wait3A_99 = tpu.memref_squeeze %dma_wait3A_98 : memref<1x128xi32, #tpu.memory_space<vmem>> -> memref<128xi32, #tpu.memory_space<vmem>>
    %dma_wait3A_100 = arith.constant 0 : i32
    %dma_wait3A_101 = arith.constant 0 : i32
    %dma_wait3A_102 = tpu.memref_slice %arg7[%dma_wait3A_100, %dma_wait3A_101] : memref<1000000x64xf32, #tpu.memory_space<hbm>> -> memref<1000000x64xf32, #tpu.memory_space<hbm>>
    tpu.wait_indirect_dma semaphore(%arg18 : memref<!tpu.dma_semaphore, #tpu.memory_space<semaphore_mem>>) src(%dma_wait3A_102 : memref<1000000x64xf32, #tpu.memory_space<hbm>>) dst(%arg14 : memref<128x64xf32, #tpu.memory_space<vmem>>)
    %dma_wait3A_103 = arith.constant 1 : i32
    %dma_wait3A_104 = arith.constant 0 : i32
    %dma_wait3A_105 = tpu.memref_slice %arg11[%dma_wait3A_103, %dma_wait3A_104] : memref<4x128xi32, #tpu.memory_space<vmem>> -> memref<1x128xi32, #tpu.memory_space<vmem>>
    %dma_wait3A_106 = tpu.memref_squeeze %dma_wait3A_105 : memref<1x128xi32, #tpu.memory_space<vmem>> -> memref<128xi32, #tpu.memory_space<vmem>>
    %dma_wait3A_107 = arith.constant 0 : i32
    %dma_wait3A_108 = arith.constant 0 : i32
    %dma_wait3A_109 = tpu.memref_slice %arg6[%dma_wait3A_107, %dma_wait3A_108] : memref<1000000x64xf32, #tpu.memory_space<hbm>> -> memref<1000000x64xf32, #tpu.memory_space<hbm>>
    tpu.wait_indirect_dma semaphore(%arg18 : memref<!tpu.dma_semaphore, #tpu.memory_space<semaphore_mem>>) src(%dma_wait3A_109 : memref<1000000x64xf32, #tpu.memory_space<hbm>>) dst(%arg15 : memref<128x64xf32, #tpu.memory_space<vmem>>)
    %dma_wait3A_110 = arith.constant 1 : i32
    %dma_wait3A_111 = arith.constant 0 : i32
    %dma_wait3A_112 = tpu.memref_slice %arg12[%dma_wait3A_110, %dma_wait3A_111] : memref<4x128xi32, #tpu.memory_space<vmem>> -> memref<1x128xi32, #tpu.memory_space<vmem>>
    %dma_wait3A_113 = tpu.memref_squeeze %dma_wait3A_112 : memref<1x128xi32, #tpu.memory_space<vmem>> -> memref<128xi32, #tpu.memory_space<vmem>>
    %dma_wait3A_114 = arith.constant 0 : i32
    %dma_wait3A_115 = arith.constant 0 : i32
    %dma_wait3A_116 = tpu.memref_slice %arg7[%dma_wait3A_114, %dma_wait3A_115] : memref<1000000x64xf32, #tpu.memory_space<hbm>> -> memref<1000000x64xf32, #tpu.memory_space<hbm>>
    tpu.wait_indirect_dma semaphore(%arg18 : memref<!tpu.dma_semaphore, #tpu.memory_space<semaphore_mem>>) src(%dma_wait3A_116 : memref<1000000x64xf32, #tpu.memory_space<hbm>>) dst(%arg16 : memref<128x64xf32, #tpu.memory_space<vmem>>)
    %scan3A_117 = arith.constant 0 : i32
    %scan3A_118 = arith.constant 128 : i32
    %scan3A_119 = arith.addi %scan3A_117, %scan3A_118 : i32
    %scan3A_120 = arith.constant 1 : i32
    %scan3A_121:8 = scf.for %scan3A_264 = %scan3A_117 to %scan3A_119 step %scan3A_120 iter_args(%scan3A_265 = %scan3A_59#0, %scan3A_266 = %scan3A_59#1, %scan3A_267 = %scan3A_59#2, %scan3A_268 = %scan3A_59#3, %scan3A_269 = %scan3A_59#4, %scan3A_270 = %scan3A_59#5, %scan3A_271 = %scan3A_59#6, %scan3A_272 = %scan3A_59#7) -> (vector<16xf32>, vector<16xf32>, vector<16xf32>, vector<16xf32>, vector<16xf32>, vector<16xf32>, vector<16xf32>, vector<16xf32>)  : i32 {
      %get3A = arith.index_cast %scan3A_264 : i32 to index
      %get3A_273 = arith.constant 0 : index
      %get3A_274 = tpu.vector_load %arg13[%get3A, %get3A_273] {strides = array<i32>} : memref<128x64xf32, #tpu.memory_space<vmem>>, vector<1x16xf32>,
      %get3A_275 = vector.shape_cast %get3A_274 : vector<1x16xf32> to vector<16xf32>
      %get3A_276 = arith.index_cast %scan3A_264 : i32 to index
      %get3A_277 = arith.constant 0 : index
      %get3A_278 = tpu.vector_load %arg14[%get3A_276, %get3A_277] {strides = array<i32>} : memref<128x64xf32, #tpu.memory_space<vmem>>, vector<1x16xf32>,
      %get3A_279 = vector.shape_cast %get3A_278 : vector<1x16xf32> to vector<16xf32>
      %mul3A_280 = arith.mulf %get3A_275, %get3A_279 : vector<16xf32>
      %add3A_281 = arith.addf %scan3A_265, %mul3A_280 : vector<16xf32>
      %get3A_282 = arith.index_cast %scan3A_264 : i32 to index
      %get3A_283 = arith.constant 16 : index
      %get3A_284 = tpu.vector_load %arg13[%get3A_282, %get3A_283] {strides = array<i32>} : memref<128x64xf32, #tpu.memory_space<vmem>>, vector<1x16xf32>,
      %get3A_285 = vector.shape_cast %get3A_284 : vector<1x16xf32> to vector<16xf32>
      %get3A_286 = arith.index_cast %scan3A_264 : i32 to index
      %get3A_287 = arith.constant 16 : index
      %get3A_288 = tpu.vector_load %arg14[%get3A_286, %get3A_287] {strides = array<i32>} : memref<128x64xf32, #tpu.memory_space<vmem>>, vector<1x16xf32>,
      %get3A_289 = vector.shape_cast %get3A_288 : vector<1x16xf32> to vector<16xf32>
      %mul3A_290 = arith.mulf %get3A_285, %get3A_289 : vector<16xf32>
      %add3A_291 = arith.addf %scan3A_266, %mul3A_290 : vector<16xf32>
      %get3A_292 = arith.index_cast %scan3A_264 : i32 to index
      %get3A_293 = arith.constant 32 : index
      %get3A_294 = tpu.vector_load %arg13[%get3A_292, %get3A_293] {strides = array<i32>} : memref<128x64xf32, #tpu.memory_space<vmem>>, vector<1x16xf32>,
      %get3A_295 = vector.shape_cast %get3A_294 : vector<1x16xf32> to vector<16xf32>
      %get3A_296 = arith.index_cast %scan3A_264 : i32 to index
      %get3A_297 = arith.constant 32 : index
      %get3A_298 = tpu.vector_load %arg14[%get3A_296, %get3A_297] {strides = array<i32>} : memref<128x64xf32, #tpu.memory_space<vmem>>, vector<1x16xf32>,
      %get3A_299 = vector.shape_cast %get3A_298 : vector<1x16xf32> to vector<16xf32>
      %mul3A_300 = arith.mulf %get3A_295, %get3A_299 : vector<16xf32>
      %add3A_301 = arith.addf %scan3A_267, %mul3A_300 : vector<16xf32>
      %get3A_302 = arith.index_cast %scan3A_264 : i32 to index
      %get3A_303 = arith.constant 48 : index
      %get3A_304 = tpu.vector_load %arg13[%get3A_302, %get3A_303] {strides = array<i32>} : memref<128x64xf32, #tpu.memory_space<vmem>>, vector<1x16xf32>,
      %get3A_305 = vector.shape_cast %get3A_304 : vector<1x16xf32> to vector<16xf32>
      %get3A_306 = arith.index_cast %scan3A_264 : i32 to index
      %get3A_307 = arith.constant 48 : index
      %get3A_308 = tpu.vector_load %arg14[%get3A_306, %get3A_307] {strides = array<i32>} : memref<128x64xf32, #tpu.memory_space<vmem>>, vector<1x16xf32>,
      %get3A_309 = vector.shape_cast %get3A_308 : vector<1x16xf32> to vector<16xf32>
      %mul3A_310 = arith.mulf %get3A_305, %get3A_309 : vector<16xf32>
      %add3A_311 = arith.addf %scan3A_268, %mul3A_310 : vector<16xf32>
      %get3A_312 = arith.index_cast %scan3A_264 : i32 to index
      %get3A_313 = arith.constant 0 : index
      %get3A_314 = tpu.vector_load %arg15[%get3A_312, %get3A_313] {strides = array<i32>} : memref<128x64xf32, #tpu.memory_space<vmem>>, vector<1x16xf32>,
      %get3A_315 = vector.shape_cast %get3A_314 : vector<1x16xf32> to vector<16xf32>
      %get3A_316 = arith.index_cast %scan3A_264 : i32 to index
      %get3A_317 = arith.constant 0 : index
      %get3A_318 = tpu.vector_load %arg16[%get3A_316, %get3A_317] {strides = array<i32>} : memref<128x64xf32, #tpu.memory_space<vmem>>, vector<1x16xf32>,
      %get3A_319 = vector.shape_cast %get3A_318 : vector<1x16xf32> to vector<16xf32>
      %mul3A_320 = arith.mulf %get3A_315, %get3A_319 : vector<16xf32>
      %add3A_321 = arith.addf %scan3A_269, %mul3A_320 : vector<16xf32>
      %get3A_322 = arith.index_cast %scan3A_264 : i32 to index
      %get3A_323 = arith.constant 16 : index
      %get3A_324 = tpu.vector_load %arg15[%get3A_322, %get3A_323] {strides = array<i32>} : memref<128x64xf32, #tpu.memory_space<vmem>>, vector<1x16xf32>,
      %get3A_325 = vector.shape_cast %get3A_324 : vector<1x16xf32> to vector<16xf32>
      %get3A_326 = arith.index_cast %scan3A_264 : i32 to index
      %get3A_327 = arith.constant 16 : index
      %get3A_328 = tpu.vector_load %arg16[%get3A_326, %get3A_327] {strides = array<i32>} : memref<128x64xf32, #tpu.memory_space<vmem>>, vector<1x16xf32>,
      %get3A_329 = vector.shape_cast %get3A_328 : vector<1x16xf32> to vector<16xf32>
      %mul3A_330 = arith.mulf %get3A_325, %get3A_329 : vector<16xf32>
      %add3A_331 = arith.addf %scan3A_270, %mul3A_330 : vector<16xf32>
      %get3A_332 = arith.index_cast %scan3A_264 : i32 to index
      %get3A_333 = arith.constant 32 : index
      %get3A_334 = tpu.vector_load %arg15[%get3A_332, %get3A_333] {strides = array<i32>} : memref<128x64xf32, #tpu.memory_space<vmem>>, vector<1x16xf32>,
      %get3A_335 = vector.shape_cast %get3A_334 : vector<1x16xf32> to vector<16xf32>
      %get3A_336 = arith.index_cast %scan3A_264 : i32 to index
      %get3A_337 = arith.constant 32 : index
      %get3A_338 = tpu.vector_load %arg16[%get3A_336, %get3A_337] {strides = array<i32>} : memref<128x64xf32, #tpu.memory_space<vmem>>, vector<1x16xf32>,
      %get3A_339 = vector.shape_cast %get3A_338 : vector<1x16xf32> to vector<16xf32>
      %mul3A_340 = arith.mulf %get3A_335, %get3A_339 : vector<16xf32>
      %add3A_341 = arith.addf %scan3A_271, %mul3A_340 : vector<16xf32>
      %get3A_342 = arith.index_cast %scan3A_264 : i32 to index
      %get3A_343 = arith.constant 48 : index
      %get3A_344 = tpu.vector_load %arg15[%get3A_342, %get3A_343] {strides = array<i32>} : memref<128x64xf32, #tpu.memory_space<vmem>>, vector<1x16xf32>,
      %get3A_345 = vector.shape_cast %get3A_344 : vector<1x16xf32> to vector<16xf32>
      %get3A_346 = arith.index_cast %scan3A_264 : i32 to index
      %get3A_347 = arith.constant 48 : index
      %get3A_348 = tpu.vector_load %arg16[%get3A_346, %get3A_347] {strides = array<i32>} : memref<128x64xf32, #tpu.memory_space<vmem>>, vector<1x16xf32>,
      %get3A_349 = vector.shape_cast %get3A_348 : vector<1x16xf32> to vector<16xf32>
      %mul3A_350 = arith.mulf %get3A_345, %get3A_349 : vector<16xf32>
      %add3A_351 = arith.addf %scan3A_272, %mul3A_350 : vector<16xf32>
      scf.yield %add3A_281, %add3A_291, %add3A_301, %add3A_311, %add3A_321, %add3A_331, %add3A_341, %add3A_351 : vector<16xf32>, vector<16xf32>, vector<16xf32>, vector<16xf32>, vector<16xf32>, vector<16xf32>, vector<16xf32>, vector<16xf32>
    }
    %scan3A_122 = arith.constant 128 : i32
    %dma_start3A_123 = arith.constant 2 : i32
    %dma_start3A_124 = arith.constant 0 : i32
    %dma_start3A_125 = tpu.memref_slice %arg9[%dma_start3A_123, %dma_start3A_124] : memref<4x128xi32, #tpu.memory_space<vmem>> -> memref<1x128xi32, #tpu.memory_space<vmem>>
    %dma_start3A_126 = tpu.memref_squeeze %dma_start3A_125 : memref<1x128xi32, #tpu.memory_space<vmem>> -> memref<128xi32, #tpu.memory_space<vmem>>
    %dma_start3A_127 = arith.constant 0 : i32
    %dma_start3A_128 = arith.constant 0 : i32
    %dma_start3A_129 = tpu.memref_slice %arg6[%dma_start3A_127, %dma_start3A_128] : memref<1000000x64xf32, #tpu.memory_space<hbm>> -> memref<1000000x64xf32, #tpu.memory_space<hbm>>
    tpu.enqueue_indirect_dma source(%dma_start3A_129 : memref<1000000x64xf32, #tpu.memory_space<hbm>>) target(%arg13 : memref<128x64xf32, #tpu.memory_space<vmem>>) offsets(%dma_start3A_126 : memref<128xi32, #tpu.memory_space<vmem>>) semaphore(%arg18 : memref<!tpu.dma_semaphore, #tpu.memory_space<semaphore_mem>>)
    %dma_start3A_130 = arith.constant 2 : i32
    %dma_start3A_131 = arith.constant 0 : i32
    %dma_start3A_132 = tpu.memref_slice %arg10[%dma_start3A_130, %dma_start3A_131] : memref<4x128xi32, #tpu.memory_space<vmem>> -> memref<1x128xi32, #tpu.memory_space<vmem>>
    %dma_start3A_133 = tpu.memref_squeeze %dma_start3A_132 : memref<1x128xi32, #tpu.memory_space<vmem>> -> memref<128xi32, #tpu.memory_space<vmem>>
    %dma_start3A_134 = arith.constant 0 : i32
    %dma_start3A_135 = arith.constant 0 : i32
    %dma_start3A_136 = tpu.memref_slice %arg7[%dma_start3A_134, %dma_start3A_135] : memref<1000000x64xf32, #tpu.memory_space<hbm>> -> memref<1000000x64xf32, #tpu.memory_space<hbm>>
    tpu.enqueue_indirect_dma source(%dma_start3A_136 : memref<1000000x64xf32, #tpu.memory_space<hbm>>) target(%arg14 : memref<128x64xf32, #tpu.memory_space<vmem>>) offsets(%dma_start3A_133 : memref<128xi32, #tpu.memory_space<vmem>>) semaphore(%arg18 : memref<!tpu.dma_semaphore, #tpu.memory_space<semaphore_mem>>)
    %dma_start3A_137 = arith.constant 2 : i32
    %dma_start3A_138 = arith.constant 0 : i32
    %dma_start3A_139 = tpu.memref_slice %arg11[%dma_start3A_137, %dma_start3A_138] : memref<4x128xi32, #tpu.memory_space<vmem>> -> memref<1x128xi32, #tpu.memory_space<vmem>>
    %dma_start3A_140 = tpu.memref_squeeze %dma_start3A_139 : memref<1x128xi32, #tpu.memory_space<vmem>> -> memref<128xi32, #tpu.memory_space<vmem>>
    %dma_start3A_141 = arith.constant 0 : i32
    %dma_start3A_142 = arith.constant 0 : i32
    %dma_start3A_143 = tpu.memref_slice %arg6[%dma_start3A_141, %dma_start3A_142] : memref<1000000x64xf32, #tpu.memory_space<hbm>> -> memref<1000000x64xf32, #tpu.memory_space<hbm>>
    tpu.enqueue_indirect_dma source(%dma_start3A_143 : memref<1000000x64xf32, #tpu.memory_space<hbm>>) target(%arg15 : memref<128x64xf32, #tpu.memory_space<vmem>>) offsets(%dma_start3A_140 : memref<128xi32, #tpu.memory_space<vmem>>) semaphore(%arg18 : memref<!tpu.dma_semaphore, #tpu.memory_space<semaphore_mem>>)
    %dma_start3A_144 = arith.constant 2 : i32
    %dma_start3A_145 = arith.constant 0 : i32
    %dma_start3A_146 = tpu.memref_slice %arg12[%dma_start3A_144, %dma_start3A_145] : memref<4x128xi32, #tpu.memory_space<vmem>> -> memref<1x128xi32, #tpu.memory_space<vmem>>
    %dma_start3A_147 = tpu.memref_squeeze %dma_start3A_146 : memref<1x128xi32, #tpu.memory_space<vmem>> -> memref<128xi32, #tpu.memory_space<vmem>>
    %dma_start3A_148 = arith.constant 0 : i32
    %dma_start3A_149 = arith.constant 0 : i32
    %dma_start3A_150 = tpu.memref_slice %arg7[%dma_start3A_148, %dma_start3A_149] : memref<1000000x64xf32, #tpu.memory_space<hbm>> -> memref<1000000x64xf32, #tpu.memory_space<hbm>>
    tpu.enqueue_indirect_dma source(%dma_start3A_150 : memref<1000000x64xf32, #tpu.memory_space<hbm>>) target(%arg16 : memref<128x64xf32, #tpu.memory_space<vmem>>) offsets(%dma_start3A_147 : memref<128xi32, #tpu.memory_space<vmem>>) semaphore(%arg18 : memref<!tpu.dma_semaphore, #tpu.memory_space<semaphore_mem>>)
    %dma_wait3A_151 = arith.constant 2 : i32
    %dma_wait3A_152 = arith.constant 0 : i32
    %dma_wait3A_153 = tpu.memref_slice %arg9[%dma_wait3A_151, %dma_wait3A_152] : memref<4x128xi32, #tpu.memory_space<vmem>> -> memref<1x128xi32, #tpu.memory_space<vmem>>
    %dma_wait3A_154 = tpu.memref_squeeze %dma_wait3A_153 : memref<1x128xi32, #tpu.memory_space<vmem>> -> memref<128xi32, #tpu.memory_space<vmem>>
    %dma_wait3A_155 = arith.constant 0 : i32
    %dma_wait3A_156 = arith.constant 0 : i32
    %dma_wait3A_157 = tpu.memref_slice %arg6[%dma_wait3A_155, %dma_wait3A_156] : memref<1000000x64xf32, #tpu.memory_space<hbm>> -> memref<1000000x64xf32, #tpu.memory_space<hbm>>
    tpu.wait_indirect_dma semaphore(%arg18 : memref<!tpu.dma_semaphore, #tpu.memory_space<semaphore_mem>>) src(%dma_wait3A_157 : memref<1000000x64xf32, #tpu.memory_space<hbm>>) dst(%arg13 : memref<128x64xf32, #tpu.memory_space<vmem>>)
    %dma_wait3A_158 = arith.constant 2 : i32
    %dma_wait3A_159 = arith.constant 0 : i32
    %dma_wait3A_160 = tpu.memref_slice %arg10[%dma_wait3A_158, %dma_wait3A_159] : memref<4x128xi32, #tpu.memory_space<vmem>> -> memref<1x128xi32, #tpu.memory_space<vmem>>
    %dma_wait3A_161 = tpu.memref_squeeze %dma_wait3A_160 : memref<1x128xi32, #tpu.memory_space<vmem>> -> memref<128xi32, #tpu.memory_space<vmem>>
    %dma_wait3A_162 = arith.constant 0 : i32
    %dma_wait3A_163 = arith.constant 0 : i32
    %dma_wait3A_164 = tpu.memref_slice %arg7[%dma_wait3A_162, %dma_wait3A_163] : memref<1000000x64xf32, #tpu.memory_space<hbm>> -> memref<1000000x64xf32, #tpu.memory_space<hbm>>
    tpu.wait_indirect_dma semaphore(%arg18 : memref<!tpu.dma_semaphore, #tpu.memory_space<semaphore_mem>>) src(%dma_wait3A_164 : memref<1000000x64xf32, #tpu.memory_space<hbm>>) dst(%arg14 : memref<128x64xf32, #tpu.memory_space<vmem>>)
    %dma_wait3A_165 = arith.constant 2 : i32
    %dma_wait3A_166 = arith.constant 0 : i32
    %dma_wait3A_167 = tpu.memref_slice %arg11[%dma_wait3A_165, %dma_wait3A_166] : memref<4x128xi32, #tpu.memory_space<vmem>> -> memref<1x128xi32, #tpu.memory_space<vmem>>
    %dma_wait3A_168 = tpu.memref_squeeze %dma_wait3A_167 : memref<1x128xi32, #tpu.memory_space<vmem>> -> memref<128xi32, #tpu.memory_space<vmem>>
    %dma_wait3A_169 = arith.constant 0 : i32
    %dma_wait3A_170 = arith.constant 0 : i32
    %dma_wait3A_171 = tpu.memref_slice %arg6[%dma_wait3A_169, %dma_wait3A_170] : memref<1000000x64xf32, #tpu.memory_space<hbm>> -> memref<1000000x64xf32, #tpu.memory_space<hbm>>
    tpu.wait_indirect_dma semaphore(%arg18 : memref<!tpu.dma_semaphore, #tpu.memory_space<semaphore_mem>>) src(%dma_wait3A_171 : memref<1000000x64xf32, #tpu.memory_space<hbm>>) dst(%arg15 : memref<128x64xf32, #tpu.memory_space<vmem>>)
    %dma_wait3A_172 = arith.constant 2 : i32
    %dma_wait3A_173 = arith.constant 0 : i32
    %dma_wait3A_174 = tpu.memref_slice %arg12[%dma_wait3A_172, %dma_wait3A_173] : memref<4x128xi32, #tpu.memory_space<vmem>> -> memref<1x128xi32, #tpu.memory_space<vmem>>
    %dma_wait3A_175 = tpu.memref_squeeze %dma_wait3A_174 : memref<1x128xi32, #tpu.memory_space<vmem>> -> memref<128xi32, #tpu.memory_space<vmem>>
    %dma_wait3A_176 = arith.constant 0 : i32
    %dma_wait3A_177 = arith.constant 0 : i32
    %dma_wait3A_178 = tpu.memref_slice %arg7[%dma_wait3A_176, %dma_wait3A_177] : memref<1000000x64xf32, #tpu.memory_space<hbm>> -> memref<1000000x64xf32, #tpu.memory_space<hbm>>
    tpu.wait_indirect_dma semaphore(%arg18 : memref<!tpu.dma_semaphore, #tpu.memory_space<semaphore_mem>>) src(%dma_wait3A_178 : memref<1000000x64xf32, #tpu.memory_space<hbm>>) dst(%arg16 : memref<128x64xf32, #tpu.memory_space<vmem>>)
    %scan3A_179 = arith.constant 0 : i32
    %scan3A_180 = arith.constant 128 : i32
    %scan3A_181 = arith.addi %scan3A_179, %scan3A_180 : i32
    %scan3A_182 = arith.constant 1 : i32
    %scan3A_183:8 = scf.for %scan3A_264 = %scan3A_179 to %scan3A_181 step %scan3A_182 iter_args(%scan3A_265 = %scan3A_121#0, %scan3A_266 = %scan3A_121#1, %scan3A_267 = %scan3A_121#2, %scan3A_268 = %scan3A_121#3, %scan3A_269 = %scan3A_121#4, %scan3A_270 = %scan3A_121#5, %scan3A_271 = %scan3A_121#6, %scan3A_272 = %scan3A_121#7) -> (vector<16xf32>, vector<16xf32>, vector<16xf32>, vector<16xf32>, vector<16xf32>, vector<16xf32>, vector<16xf32>, vector<16xf32>)  : i32 {
      %get3A = arith.index_cast %scan3A_264 : i32 to index
      %get3A_273 = arith.constant 0 : index
      %get3A_274 = tpu.vector_load %arg13[%get3A, %get3A_273] {strides = array<i32>} : memref<128x64xf32, #tpu.memory_space<vmem>>, vector<1x16xf32>,
      %get3A_275 = vector.shape_cast %get3A_274 : vector<1x16xf32> to vector<16xf32>
      %get3A_276 = arith.index_cast %scan3A_264 : i32 to index
      %get3A_277 = arith.constant 0 : index
      %get3A_278 = tpu.vector_load %arg14[%get3A_276, %get3A_277] {strides = array<i32>} : memref<128x64xf32, #tpu.memory_space<vmem>>, vector<1x16xf32>,
      %get3A_279 = vector.shape_cast %get3A_278 : vector<1x16xf32> to vector<16xf32>
      %mul3A_280 = arith.mulf %get3A_275, %get3A_279 : vector<16xf32>
      %add3A_281 = arith.addf %scan3A_265, %mul3A_280 : vector<16xf32>
      %get3A_282 = arith.index_cast %scan3A_264 : i32 to index
      %get3A_283 = arith.constant 16 : index
      %get3A_284 = tpu.vector_load %arg13[%get3A_282, %get3A_283] {strides = array<i32>} : memref<128x64xf32, #tpu.memory_space<vmem>>, vector<1x16xf32>,
      %get3A_285 = vector.shape_cast %get3A_284 : vector<1x16xf32> to vector<16xf32>
      %get3A_286 = arith.index_cast %scan3A_264 : i32 to index
      %get3A_287 = arith.constant 16 : index
      %get3A_288 = tpu.vector_load %arg14[%get3A_286, %get3A_287] {strides = array<i32>} : memref<128x64xf32, #tpu.memory_space<vmem>>, vector<1x16xf32>,
      %get3A_289 = vector.shape_cast %get3A_288 : vector<1x16xf32> to vector<16xf32>
      %mul3A_290 = arith.mulf %get3A_285, %get3A_289 : vector<16xf32>
      %add3A_291 = arith.addf %scan3A_266, %mul3A_290 : vector<16xf32>
      %get3A_292 = arith.index_cast %scan3A_264 : i32 to index
      %get3A_293 = arith.constant 32 : index
      %get3A_294 = tpu.vector_load %arg13[%get3A_292, %get3A_293] {strides = array<i32>} : memref<128x64xf32, #tpu.memory_space<vmem>>, vector<1x16xf32>,
      %get3A_295 = vector.shape_cast %get3A_294 : vector<1x16xf32> to vector<16xf32>
      %get3A_296 = arith.index_cast %scan3A_264 : i32 to index
      %get3A_297 = arith.constant 32 : index
      %get3A_298 = tpu.vector_load %arg14[%get3A_296, %get3A_297] {strides = array<i32>} : memref<128x64xf32, #tpu.memory_space<vmem>>, vector<1x16xf32>,
      %get3A_299 = vector.shape_cast %get3A_298 : vector<1x16xf32> to vector<16xf32>
      %mul3A_300 = arith.mulf %get3A_295, %get3A_299 : vector<16xf32>
      %add3A_301 = arith.addf %scan3A_267, %mul3A_300 : vector<16xf32>
      %get3A_302 = arith.index_cast %scan3A_264 : i32 to index
      %get3A_303 = arith.constant 48 : index
      %get3A_304 = tpu.vector_load %arg13[%get3A_302, %get3A_303] {strides = array<i32>} : memref<128x64xf32, #tpu.memory_space<vmem>>, vector<1x16xf32>,
      %get3A_305 = vector.shape_cast %get3A_304 : vector<1x16xf32> to vector<16xf32>
      %get3A_306 = arith.index_cast %scan3A_264 : i32 to index
      %get3A_307 = arith.constant 48 : index
      %get3A_308 = tpu.vector_load %arg14[%get3A_306, %get3A_307] {strides = array<i32>} : memref<128x64xf32, #tpu.memory_space<vmem>>, vector<1x16xf32>,
      %get3A_309 = vector.shape_cast %get3A_308 : vector<1x16xf32> to vector<16xf32>
      %mul3A_310 = arith.mulf %get3A_305, %get3A_309 : vector<16xf32>
      %add3A_311 = arith.addf %scan3A_268, %mul3A_310 : vector<16xf32>
      %get3A_312 = arith.index_cast %scan3A_264 : i32 to index
      %get3A_313 = arith.constant 0 : index
      %get3A_314 = tpu.vector_load %arg15[%get3A_312, %get3A_313] {strides = array<i32>} : memref<128x64xf32, #tpu.memory_space<vmem>>, vector<1x16xf32>,
      %get3A_315 = vector.shape_cast %get3A_314 : vector<1x16xf32> to vector<16xf32>
      %get3A_316 = arith.index_cast %scan3A_264 : i32 to index
      %get3A_317 = arith.constant 0 : index
      %get3A_318 = tpu.vector_load %arg16[%get3A_316, %get3A_317] {strides = array<i32>} : memref<128x64xf32, #tpu.memory_space<vmem>>, vector<1x16xf32>,
      %get3A_319 = vector.shape_cast %get3A_318 : vector<1x16xf32> to vector<16xf32>
      %mul3A_320 = arith.mulf %get3A_315, %get3A_319 : vector<16xf32>
      %add3A_321 = arith.addf %scan3A_269, %mul3A_320 : vector<16xf32>
      %get3A_322 = arith.index_cast %scan3A_264 : i32 to index
      %get3A_323 = arith.constant 16 : index
      %get3A_324 = tpu.vector_load %arg15[%get3A_322, %get3A_323] {strides = array<i32>} : memref<128x64xf32, #tpu.memory_space<vmem>>, vector<1x16xf32>,
      %get3A_325 = vector.shape_cast %get3A_324 : vector<1x16xf32> to vector<16xf32>
      %get3A_326 = arith.index_cast %scan3A_264 : i32 to index
      %get3A_327 = arith.constant 16 : index
      %get3A_328 = tpu.vector_load %arg16[%get3A_326, %get3A_327] {strides = array<i32>} : memref<128x64xf32, #tpu.memory_space<vmem>>, vector<1x16xf32>,
      %get3A_329 = vector.shape_cast %get3A_328 : vector<1x16xf32> to vector<16xf32>
      %mul3A_330 = arith.mulf %get3A_325, %get3A_329 : vector<16xf32>
      %add3A_331 = arith.addf %scan3A_270, %mul3A_330 : vector<16xf32>
      %get3A_332 = arith.index_cast %scan3A_264 : i32 to index
      %get3A_333 = arith.constant 32 : index
      %get3A_334 = tpu.vector_load %arg15[%get3A_332, %get3A_333] {strides = array<i32>} : memref<128x64xf32, #tpu.memory_space<vmem>>, vector<1x16xf32>,
      %get3A_335 = vector.shape_cast %get3A_334 : vector<1x16xf32> to vector<16xf32>
      %get3A_336 = arith.index_cast %scan3A_264 : i32 to index
      %get3A_337 = arith.constant 32 : index
      %get3A_338 = tpu.vector_load %arg16[%get3A_336, %get3A_337] {strides = array<i32>} : memref<128x64xf32, #tpu.memory_space<vmem>>, vector<1x16xf32>,
      %get3A_339 = vector.shape_cast %get3A_338 : vector<1x16xf32> to vector<16xf32>
      %mul3A_340 = arith.mulf %get3A_335, %get3A_339 : vector<16xf32>
      %add3A_341 = arith.addf %scan3A_271, %mul3A_340 : vector<16xf32>
      %get3A_342 = arith.index_cast %scan3A_264 : i32 to index
      %get3A_343 = arith.constant 48 : index
      %get3A_344 = tpu.vector_load %arg15[%get3A_342, %get3A_343] {strides = array<i32>} : memref<128x64xf32, #tpu.memory_space<vmem>>, vector<1x16xf32>,
      %get3A_345 = vector.shape_cast %get3A_344 : vector<1x16xf32> to vector<16xf32>
      %get3A_346 = arith.index_cast %scan3A_264 : i32 to index
      %get3A_347 = arith.constant 48 : index
      %get3A_348 = tpu.vector_load %arg16[%get3A_346, %get3A_347] {strides = array<i32>} : memref<128x64xf32, #tpu.memory_space<vmem>>, vector<1x16xf32>,
      %get3A_349 = vector.shape_cast %get3A_348 : vector<1x16xf32> to vector<16xf32>
      %mul3A_350 = arith.mulf %get3A_345, %get3A_349 : vector<16xf32>
      %add3A_351 = arith.addf %scan3A_272, %mul3A_350 : vector<16xf32>
      scf.yield %add3A_281, %add3A_291, %add3A_301, %add3A_311, %add3A_321, %add3A_331, %add3A_341, %add3A_351 : vector<16xf32>, vector<16xf32>, vector<16xf32>, vector<16xf32>, vector<16xf32>, vector<16xf32>, vector<16xf32>, vector<16xf32>
    }
    %scan3A_184 = arith.constant 128 : i32
    %dma_start3A_185 = arith.constant 3 : i32
    %dma_start3A_186 = arith.constant 0 : i32
    %dma_start3A_187 = tpu.memref_slice %arg9[%dma_start3A_185, %dma_start3A_186] : memref<4x128xi32, #tpu.memory_space<vmem>> -> memref<1x128xi32, #tpu.memory_space<vmem>>
    %dma_start3A_188 = tpu.memref_squeeze %dma_start3A_187 : memref<1x128xi32, #tpu.memory_space<vmem>> -> memref<128xi32, #tpu.memory_space<vmem>>
    %dma_start3A_189 = arith.constant 0 : i32
    %dma_start3A_190 = arith.constant 0 : i32
    %dma_start3A_191 = tpu.memref_slice %arg6[%dma_start3A_189, %dma_start3A_190] : memref<1000000x64xf32, #tpu.memory_space<hbm>> -> memref<1000000x64xf32, #tpu.memory_space<hbm>>
    tpu.enqueue_indirect_dma source(%dma_start3A_191 : memref<1000000x64xf32, #tpu.memory_space<hbm>>) target(%arg13 : memref<128x64xf32, #tpu.memory_space<vmem>>) offsets(%dma_start3A_188 : memref<128xi32, #tpu.memory_space<vmem>>) semaphore(%arg18 : memref<!tpu.dma_semaphore, #tpu.memory_space<semaphore_mem>>)
    %dma_start3A_192 = arith.constant 3 : i32
    %dma_start3A_193 = arith.constant 0 : i32
    %dma_start3A_194 = tpu.memref_slice %arg10[%dma_start3A_192, %dma_start3A_193] : memref<4x128xi32, #tpu.memory_space<vmem>> -> memref<1x128xi32, #tpu.memory_space<vmem>>
    %dma_start3A_195 = tpu.memref_squeeze %dma_start3A_194 : memref<1x128xi32, #tpu.memory_space<vmem>> -> memref<128xi32, #tpu.memory_space<vmem>>
    %dma_start3A_196 = arith.constant 0 : i32
    %dma_start3A_197 = arith.constant 0 : i32
    %dma_start3A_198 = tpu.memref_slice %arg7[%dma_start3A_196, %dma_start3A_197] : memref<1000000x64xf32, #tpu.memory_space<hbm>> -> memref<1000000x64xf32, #tpu.memory_space<hbm>>
    tpu.enqueue_indirect_dma source(%dma_start3A_198 : memref<1000000x64xf32, #tpu.memory_space<hbm>>) target(%arg14 : memref<128x64xf32, #tpu.memory_space<vmem>>) offsets(%dma_start3A_195 : memref<128xi32, #tpu.memory_space<vmem>>) semaphore(%arg18 : memref<!tpu.dma_semaphore, #tpu.memory_space<semaphore_mem>>)
    %dma_start3A_199 = arith.constant 3 : i32
    %dma_start3A_200 = arith.constant 0 : i32
    %dma_start3A_201 = tpu.memref_slice %arg11[%dma_start3A_199, %dma_start3A_200] : memref<4x128xi32, #tpu.memory_space<vmem>> -> memref<1x128xi32, #tpu.memory_space<vmem>>
    %dma_start3A_202 = tpu.memref_squeeze %dma_start3A_201 : memref<1x128xi32, #tpu.memory_space<vmem>> -> memref<128xi32, #tpu.memory_space<vmem>>
    %dma_start3A_203 = arith.constant 0 : i32
    %dma_start3A_204 = arith.constant 0 : i32
    %dma_start3A_205 = tpu.memref_slice %arg6[%dma_start3A_203, %dma_start3A_204] : memref<1000000x64xf32, #tpu.memory_space<hbm>> -> memref<1000000x64xf32, #tpu.memory_space<hbm>>
    tpu.enqueue_indirect_dma source(%dma_start3A_205 : memref<1000000x64xf32, #tpu.memory_space<hbm>>) target(%arg15 : memref<128x64xf32, #tpu.memory_space<vmem>>) offsets(%dma_start3A_202 : memref<128xi32, #tpu.memory_space<vmem>>) semaphore(%arg18 : memref<!tpu.dma_semaphore, #tpu.memory_space<semaphore_mem>>)
    %dma_start3A_206 = arith.constant 3 : i32
    %dma_start3A_207 = arith.constant 0 : i32
    %dma_start3A_208 = tpu.memref_slice %arg12[%dma_start3A_206, %dma_start3A_207] : memref<4x128xi32, #tpu.memory_space<vmem>> -> memref<1x128xi32, #tpu.memory_space<vmem>>
    %dma_start3A_209 = tpu.memref_squeeze %dma_start3A_208 : memref<1x128xi32, #tpu.memory_space<vmem>> -> memref<128xi32, #tpu.memory_space<vmem>>
    %dma_start3A_210 = arith.constant 0 : i32
    %dma_start3A_211 = arith.constant 0 : i32
    %dma_start3A_212 = tpu.memref_slice %arg7[%dma_start3A_210, %dma_start3A_211] : memref<1000000x64xf32, #tpu.memory_space<hbm>> -> memref<1000000x64xf32, #tpu.memory_space<hbm>>
    tpu.enqueue_indirect_dma source(%dma_start3A_212 : memref<1000000x64xf32, #tpu.memory_space<hbm>>) target(%arg16 : memref<128x64xf32, #tpu.memory_space<vmem>>) offsets(%dma_start3A_209 : memref<128xi32, #tpu.memory_space<vmem>>) semaphore(%arg18 : memref<!tpu.dma_semaphore, #tpu.memory_space<semaphore_mem>>)
    %dma_wait3A_213 = arith.constant 3 : i32
    %dma_wait3A_214 = arith.constant 0 : i32
    %dma_wait3A_215 = tpu.memref_slice %arg9[%dma_wait3A_213, %dma_wait3A_214] : memref<4x128xi32, #tpu.memory_space<vmem>> -> memref<1x128xi32, #tpu.memory_space<vmem>>
    %dma_wait3A_216 = tpu.memref_squeeze %dma_wait3A_215 : memref<1x128xi32, #tpu.memory_space<vmem>> -> memref<128xi32, #tpu.memory_space<vmem>>
    %dma_wait3A_217 = arith.constant 0 : i32
    %dma_wait3A_218 = arith.constant 0 : i32
    %dma_wait3A_219 = tpu.memref_slice %arg6[%dma_wait3A_217, %dma_wait3A_218] : memref<1000000x64xf32, #tpu.memory_space<hbm>> -> memref<1000000x64xf32, #tpu.memory_space<hbm>>
    tpu.wait_indirect_dma semaphore(%arg18 : memref<!tpu.dma_semaphore, #tpu.memory_space<semaphore_mem>>) src(%dma_wait3A_219 : memref<1000000x64xf32, #tpu.memory_space<hbm>>) dst(%arg13 : memref<128x64xf32, #tpu.memory_space<vmem>>)
    %dma_wait3A_220 = arith.constant 3 : i32
    %dma_wait3A_221 = arith.constant 0 : i32
    %dma_wait3A_222 = tpu.memref_slice %arg10[%dma_wait3A_220, %dma_wait3A_221] : memref<4x128xi32, #tpu.memory_space<vmem>> -> memref<1x128xi32, #tpu.memory_space<vmem>>
    %dma_wait3A_223 = tpu.memref_squeeze %dma_wait3A_222 : memref<1x128xi32, #tpu.memory_space<vmem>> -> memref<128xi32, #tpu.memory_space<vmem>>
    %dma_wait3A_224 = arith.constant 0 : i32
    %dma_wait3A_225 = arith.constant 0 : i32
    %dma_wait3A_226 = tpu.memref_slice %arg7[%dma_wait3A_224, %dma_wait3A_225] : memref<1000000x64xf32, #tpu.memory_space<hbm>> -> memref<1000000x64xf32, #tpu.memory_space<hbm>>
    tpu.wait_indirect_dma semaphore(%arg18 : memref<!tpu.dma_semaphore, #tpu.memory_space<semaphore_mem>>) src(%dma_wait3A_226 : memref<1000000x64xf32, #tpu.memory_space<hbm>>) dst(%arg14 : memref<128x64xf32, #tpu.memory_space<vmem>>)
    %dma_wait3A_227 = arith.constant 3 : i32
    %dma_wait3A_228 = arith.constant 0 : i32
    %dma_wait3A_229 = tpu.memref_slice %arg11[%dma_wait3A_227, %dma_wait3A_228] : memref<4x128xi32, #tpu.memory_space<vmem>> -> memref<1x128xi32, #tpu.memory_space<vmem>>
    %dma_wait3A_230 = tpu.memref_squeeze %dma_wait3A_229 : memref<1x128xi32, #tpu.memory_space<vmem>> -> memref<128xi32, #tpu.memory_space<vmem>>
    %dma_wait3A_231 = arith.constant 0 : i32
    %dma_wait3A_232 = arith.constant 0 : i32
    %dma_wait3A_233 = tpu.memref_slice %arg6[%dma_wait3A_231, %dma_wait3A_232] : memref<1000000x64xf32, #tpu.memory_space<hbm>> -> memref<1000000x64xf32, #tpu.memory_space<hbm>>
    tpu.wait_indirect_dma semaphore(%arg18 : memref<!tpu.dma_semaphore, #tpu.memory_space<semaphore_mem>>) src(%dma_wait3A_233 : memref<1000000x64xf32, #tpu.memory_space<hbm>>) dst(%arg15 : memref<128x64xf32, #tpu.memory_space<vmem>>)
    %dma_wait3A_234 = arith.constant 3 : i32
    %dma_wait3A_235 = arith.constant 0 : i32
    %dma_wait3A_236 = tpu.memref_slice %arg12[%dma_wait3A_234, %dma_wait3A_235] : memref<4x128xi32, #tpu.memory_space<vmem>> -> memref<1x128xi32, #tpu.memory_space<vmem>>
    %dma_wait3A_237 = tpu.memref_squeeze %dma_wait3A_236 : memref<1x128xi32, #tpu.memory_space<vmem>> -> memref<128xi32, #tpu.memory_space<vmem>>
    %dma_wait3A_238 = arith.constant 0 : i32
    %dma_wait3A_239 = arith.constant 0 : i32
    %dma_wait3A_240 = tpu.memref_slice %arg7[%dma_wait3A_238, %dma_wait3A_239] : memref<1000000x64xf32, #tpu.memory_space<hbm>> -> memref<1000000x64xf32, #tpu.memory_space<hbm>>
    tpu.wait_indirect_dma semaphore(%arg18 : memref<!tpu.dma_semaphore, #tpu.memory_space<semaphore_mem>>) src(%dma_wait3A_240 : memref<1000000x64xf32, #tpu.memory_space<hbm>>) dst(%arg16 : memref<128x64xf32, #tpu.memory_space<vmem>>)
    %scan3A_241 = arith.constant 0 : i32
    %scan3A_242 = arith.constant 128 : i32
    %scan3A_243 = arith.addi %scan3A_241, %scan3A_242 : i32
    %scan3A_244 = arith.constant 1 : i32
    %scan3A_245:8 = scf.for %scan3A_264 = %scan3A_241 to %scan3A_243 step %scan3A_244 iter_args(%scan3A_265 = %scan3A_183#0, %scan3A_266 = %scan3A_183#1, %scan3A_267 = %scan3A_183#2, %scan3A_268 = %scan3A_183#3, %scan3A_269 = %scan3A_183#4, %scan3A_270 = %scan3A_183#5, %scan3A_271 = %scan3A_183#6, %scan3A_272 = %scan3A_183#7) -> (vector<16xf32>, vector<16xf32>, vector<16xf32>, vector<16xf32>, vector<16xf32>, vector<16xf32>, vector<16xf32>, vector<16xf32>)  : i32 {
      %get3A = arith.index_cast %scan3A_264 : i32 to index
      %get3A_273 = arith.constant 0 : index
      %get3A_274 = tpu.vector_load %arg13[%get3A, %get3A_273] {strides = array<i32>} : memref<128x64xf32, #tpu.memory_space<vmem>>, vector<1x16xf32>,
      %get3A_275 = vector.shape_cast %get3A_274 : vector<1x16xf32> to vector<16xf32>
      %get3A_276 = arith.index_cast %scan3A_264 : i32 to index
      %get3A_277 = arith.constant 0 : index
      %get3A_278 = tpu.vector_load %arg14[%get3A_276, %get3A_277] {strides = array<i32>} : memref<128x64xf32, #tpu.memory_space<vmem>>, vector<1x16xf32>,
      %get3A_279 = vector.shape_cast %get3A_278 : vector<1x16xf32> to vector<16xf32>
      %mul3A_280 = arith.mulf %get3A_275, %get3A_279 : vector<16xf32>
      %add3A_281 = arith.addf %scan3A_265, %mul3A_280 : vector<16xf32>
      %get3A_282 = arith.index_cast %scan3A_264 : i32 to index
      %get3A_283 = arith.constant 16 : index
      %get3A_284 = tpu.vector_load %arg13[%get3A_282, %get3A_283] {strides = array<i32>} : memref<128x64xf32, #tpu.memory_space<vmem>>, vector<1x16xf32>,
      %get3A_285 = vector.shape_cast %get3A_284 : vector<1x16xf32> to vector<16xf32>
      %get3A_286 = arith.index_cast %scan3A_264 : i32 to index
      %get3A_287 = arith.constant 16 : index
      %get3A_288 = tpu.vector_load %arg14[%get3A_286, %get3A_287] {strides = array<i32>} : memref<128x64xf32, #tpu.memory_space<vmem>>, vector<1x16xf32>,
      %get3A_289 = vector.shape_cast %get3A_288 : vector<1x16xf32> to vector<16xf32>
      %mul3A_290 = arith.mulf %get3A_285, %get3A_289 : vector<16xf32>
      %add3A_291 = arith.addf %scan3A_266, %mul3A_290 : vector<16xf32>
      %get3A_292 = arith.index_cast %scan3A_264 : i32 to index
      %get3A_293 = arith.constant 32 : index
      %get3A_294 = tpu.vector_load %arg13[%get3A_292, %get3A_293] {strides = array<i32>} : memref<128x64xf32, #tpu.memory_space<vmem>>, vector<1x16xf32>,
      %get3A_295 = vector.shape_cast %get3A_294 : vector<1x16xf32> to vector<16xf32>
      %get3A_296 = arith.index_cast %scan3A_264 : i32 to index
      %get3A_297 = arith.constant 32 : index
      %get3A_298 = tpu.vector_load %arg14[%get3A_296, %get3A_297] {strides = array<i32>} : memref<128x64xf32, #tpu.memory_space<vmem>>, vector<1x16xf32>,
      %get3A_299 = vector.shape_cast %get3A_298 : vector<1x16xf32> to vector<16xf32>
      %mul3A_300 = arith.mulf %get3A_295, %get3A_299 : vector<16xf32>
      %add3A_301 = arith.addf %scan3A_267, %mul3A_300 : vector<16xf32>
      %get3A_302 = arith.index_cast %scan3A_264 : i32 to index
      %get3A_303 = arith.constant 48 : index
      %get3A_304 = tpu.vector_load %arg13[%get3A_302, %get3A_303] {strides = array<i32>} : memref<128x64xf32, #tpu.memory_space<vmem>>, vector<1x16xf32>,
      %get3A_305 = vector.shape_cast %get3A_304 : vector<1x16xf32> to vector<16xf32>
      %get3A_306 = arith.index_cast %scan3A_264 : i32 to index
      %get3A_307 = arith.constant 48 : index
      %get3A_308 = tpu.vector_load %arg14[%get3A_306, %get3A_307] {strides = array<i32>} : memref<128x64xf32, #tpu.memory_space<vmem>>, vector<1x16xf32>,
      %get3A_309 = vector.shape_cast %get3A_308 : vector<1x16xf32> to vector<16xf32>
      %mul3A_310 = arith.mulf %get3A_305, %get3A_309 : vector<16xf32>
      %add3A_311 = arith.addf %scan3A_268, %mul3A_310 : vector<16xf32>
      %get3A_312 = arith.index_cast %scan3A_264 : i32 to index
      %get3A_313 = arith.constant 0 : index
      %get3A_314 = tpu.vector_load %arg15[%get3A_312, %get3A_313] {strides = array<i32>} : memref<128x64xf32, #tpu.memory_space<vmem>>, vector<1x16xf32>,
      %get3A_315 = vector.shape_cast %get3A_314 : vector<1x16xf32> to vector<16xf32>
      %get3A_316 = arith.index_cast %scan3A_264 : i32 to index
      %get3A_317 = arith.constant 0 : index
      %get3A_318 = tpu.vector_load %arg16[%get3A_316, %get3A_317] {strides = array<i32>} : memref<128x64xf32, #tpu.memory_space<vmem>>, vector<1x16xf32>,
      %get3A_319 = vector.shape_cast %get3A_318 : vector<1x16xf32> to vector<16xf32>
      %mul3A_320 = arith.mulf %get3A_315, %get3A_319 : vector<16xf32>
      %add3A_321 = arith.addf %scan3A_269, %mul3A_320 : vector<16xf32>
      %get3A_322 = arith.index_cast %scan3A_264 : i32 to index
      %get3A_323 = arith.constant 16 : index
      %get3A_324 = tpu.vector_load %arg15[%get3A_322, %get3A_323] {strides = array<i32>} : memref<128x64xf32, #tpu.memory_space<vmem>>, vector<1x16xf32>,
      %get3A_325 = vector.shape_cast %get3A_324 : vector<1x16xf32> to vector<16xf32>
      %get3A_326 = arith.index_cast %scan3A_264 : i32 to index
      %get3A_327 = arith.constant 16 : index
      %get3A_328 = tpu.vector_load %arg16[%get3A_326, %get3A_327] {strides = array<i32>} : memref<128x64xf32, #tpu.memory_space<vmem>>, vector<1x16xf32>,
      %get3A_329 = vector.shape_cast %get3A_328 : vector<1x16xf32> to vector<16xf32>
      %mul3A_330 = arith.mulf %get3A_325, %get3A_329 : vector<16xf32>
      %add3A_331 = arith.addf %scan3A_270, %mul3A_330 : vector<16xf32>
      %get3A_332 = arith.index_cast %scan3A_264 : i32 to index
      %get3A_333 = arith.constant 32 : index
      %get3A_334 = tpu.vector_load %arg15[%get3A_332, %get3A_333] {strides = array<i32>} : memref<128x64xf32, #tpu.memory_space<vmem>>, vector<1x16xf32>,
      %get3A_335 = vector.shape_cast %get3A_334 : vector<1x16xf32> to vector<16xf32>
      %get3A_336 = arith.index_cast %scan3A_264 : i32 to index
      %get3A_337 = arith.constant 32 : index
      %get3A_338 = tpu.vector_load %arg16[%get3A_336, %get3A_337] {strides = array<i32>} : memref<128x64xf32, #tpu.memory_space<vmem>>, vector<1x16xf32>,
      %get3A_339 = vector.shape_cast %get3A_338 : vector<1x16xf32> to vector<16xf32>
      %mul3A_340 = arith.mulf %get3A_335, %get3A_339 : vector<16xf32>
      %add3A_341 = arith.addf %scan3A_271, %mul3A_340 : vector<16xf32>
      %get3A_342 = arith.index_cast %scan3A_264 : i32 to index
      %get3A_343 = arith.constant 48 : index
      %get3A_344 = tpu.vector_load %arg15[%get3A_342, %get3A_343] {strides = array<i32>} : memref<128x64xf32, #tpu.memory_space<vmem>>, vector<1x16xf32>,
      %get3A_345 = vector.shape_cast %get3A_344 : vector<1x16xf32> to vector<16xf32>
      %get3A_346 = arith.index_cast %scan3A_264 : i32 to index
      %get3A_347 = arith.constant 48 : index
      %get3A_348 = tpu.vector_load %arg16[%get3A_346, %get3A_347] {strides = array<i32>} : memref<128x64xf32, #tpu.memory_space<vmem>>, vector<1x16xf32>,
      %get3A_349 = vector.shape_cast %get3A_348 : vector<1x16xf32> to vector<16xf32>
      %mul3A_350 = arith.mulf %get3A_345, %get3A_349 : vector<16xf32>
      %add3A_351 = arith.addf %scan3A_272, %mul3A_350 : vector<16xf32>
      scf.yield %add3A_281, %add3A_291, %add3A_301, %add3A_311, %add3A_321, %add3A_331, %add3A_341, %add3A_351 : vector<16xf32>, vector<16xf32>, vector<16xf32>, vector<16xf32>, vector<16xf32>, vector<16xf32>, vector<16xf32>, vector<16xf32>
    }
    %scan3A_246 = arith.constant 128 : i32
    %add3A_247 = arith.addf %scan3A_245#0, %scan3A_245#1 : vector<16xf32>
    %add3A_248 = arith.addf %scan3A_245#2, %scan3A_245#3 : vector<16xf32>
    %add3A_249 = arith.addf %add3A_247, %add3A_248 : vector<16xf32>
    %add3A_250 = arith.addf %scan3A_245#4, %scan3A_245#5 : vector<16xf32>
    %add3A_251 = arith.addf %scan3A_245#6, %scan3A_245#7 : vector<16xf32>
    %add3A_252 = arith.addf %add3A_250, %add3A_251 : vector<16xf32>
    %swap3A = arith.constant 0 : i32
    %swap3A_253 = arith.index_cast %swap3A : i32 to index
    %swap3A_254 = arith.constant 0 : index
    %swap3A_255 = tpu.vector_load %arg17[%swap3A_253, %swap3A_254] {strides = array<i32>} : memref<2x16xf32, #tpu.memory_space<vmem>>, vector<1x16xf32>,
    %swap3A_256 = vector.shape_cast %swap3A_255 : vector<1x16xf32> to vector<16xf32>
    %swap3A_257 = vector.shape_cast %add3A_249 : vector<16xf32> to vector<1x16xf32>
    tpu.vector_store %arg17[%swap3A_253, %swap3A_254], %swap3A_257 {strides = array<i32>} : memref<2x16xf32, #tpu.memory_space<vmem>>, vector<1x16xf32>,
    %swap3A_258 = arith.constant 1 : i32
    %swap3A_259 = arith.index_cast %swap3A_258 : i32 to index
    %swap3A_260 = arith.constant 0 : index
    %swap3A_261 = tpu.vector_load %arg17[%swap3A_259, %swap3A_260] {strides = array<i32>} : memref<2x16xf32, #tpu.memory_space<vmem>>, vector<1x16xf32>,
    %swap3A_262 = vector.shape_cast %swap3A_261 : vector<1x16xf32> to vector<16xf32>
    %swap3A_263 = vector.shape_cast %add3A_252 : vector<16xf32> to vector<1x16xf32>
    tpu.vector_store %arg17[%swap3A_259, %swap3A_260], %swap3A_263 {strides = array<i32>} : memref<2x16xf32, #tpu.memory_space<vmem>>, vector<1x16xf32>,
    "tpu.region"() ({
      %run_scoped3A = tpu.sem_alloc : memref<!tpu.dma_semaphore, #tpu.memory_space<semaphore_mem>>
      %dma_start3A_264 = arith.constant 0 : i32
      %dma_start3A_265 = arith.constant 0 : i32
      %dma_start3A_266 = tpu.memref_slice %arg8[%add3A, %dma_start3A_264, %dma_start3A_265] : memref<32x2x16xf32, #tpu.memory_space<hbm>> -> memref<1x2x16xf32, #tpu.memory_space<hbm>>
      %dma_start3A_267 = tpu.memref_squeeze %dma_start3A_266 : memref<1x2x16xf32, #tpu.memory_space<hbm>> -> memref<2x16xf32, #tpu.memory_space<hbm>>
      %dma_start3A_268 = arith.constant 0 : i32
      %dma_start3A_269 = arith.constant 0 : i32
      %dma_start3A_270 = tpu.memref_slice %arg8[%add3A, %dma_start3A_268, %dma_start3A_269] : memref<32x2x16xf32, #tpu.memory_space<hbm>> -> memref<1x2x16xf32, #tpu.memory_space<hbm>>
      %dma_start3A_271 = tpu.memref_squeeze %dma_start3A_270 : memref<1x2x16xf32, #tpu.memory_space<hbm>> -> memref<2x16xf32, #tpu.memory_space<hbm>>
      tpu.enqueue_dma source(%arg17 : memref<2x16xf32, #tpu.memory_space<vmem>>) target(%dma_start3A_271 : memref<2x16xf32, #tpu.memory_space<hbm>>) target_semaphore(%run_scoped3A : memref<!tpu.dma_semaphore, #tpu.memory_space<semaphore_mem>>)
      %dma_wait3A_272 = arith.constant 0 : i32
      %dma_wait3A_273 = arith.constant 0 : i32
      %dma_wait3A_274 = tpu.memref_slice %arg8[%add3A, %dma_wait3A_272, %dma_wait3A_273] : memref<32x2x16xf32, #tpu.memory_space<hbm>> -> memref<1x2x16xf32, #tpu.memory_space<hbm>>
      %dma_wait3A_275 = tpu.memref_squeeze %dma_wait3A_274 : memref<1x2x16xf32, #tpu.memory_space<hbm>> -> memref<2x16xf32, #tpu.memory_space<hbm>>
      %dma_wait3A_276 = arith.constant 0 : i32
      %dma_wait3A_277 = arith.constant 0 : i32
      %dma_wait3A_278 = tpu.memref_slice %arg8[%add3A, %dma_wait3A_276, %dma_wait3A_277] : memref<32x2x16xf32, #tpu.memory_space<hbm>> -> memref<1x2x16xf32, #tpu.memory_space<hbm>>
      %dma_wait3A_279 = tpu.memref_squeeze %dma_wait3A_278 : memref<1x2x16xf32, #tpu.memory_space<hbm>> -> memref<2x16xf32, #tpu.memory_space<hbm>>
      tpu.wait_dma2 semaphore(%run_scoped3A : memref<!tpu.dma_semaphore, #tpu.memory_space<semaphore_mem>>) src(%arg17 : memref<2x16xf32, #tpu.memory_space<vmem>>) dst(%dma_wait3A_279 : memref<2x16xf32, #tpu.memory_space<hbm>>)
      tpu.yield
    }) : () -> ()
    return
  }
}

</mosaic_0001>

<sc_bundles>
// kernel: kernel.3.cloned.1.call-start
scs
__scs_entry_jumppad:
0x0: {  	(pc) =	sbr.rel $0x88, $3  }
0x1: {  	(tag) =	ssettag $0x0;
	lr =	simm.s32 $0x1  }
0x2: {  	[smem:$0x3F9B] =	sst lr;
	_ =	strace $0xD0000000  }
0x3: {  	_ = 	snop  }
0x4: {  	_ = 	snop  }
0x5: {  	_ = 	snop  }
0x6: {  	_ = 	snop  }
0x7: {  	_ = 	snop  }
__scs_overlays_trampoline_lowered:
0x8: {  	[smem:$0x3FAA] =	sst s0  }
0x9: {  	[smem:$0x3FAB] =	sst s1  }
0xa: {  	[smem:$0x3FAC] =	sst s2  }
0xb: {  	[smem:$0x3FAD] =	sst s3  }
0xc: {  	[smem:$0x3FAE] =	sst s4  }
0xd: {  	[smem:$0x3FAF] =	sst s5  }
0xe: {  	[smem:$0x3FB0] =	sst s6  }
0xf: {  	[smem:$0x3FB1] =	sst s7  }
0x10: {  	[smem:$0x3FB2] =	sst s8  }
0x11: {  	[smem:$0x3FB3] =	sst s9;
	s0 =	simm.s32 @!p0 $0x0  }
0x12: {  	s1 =	sld [smem:$0x3F99];
	s0 =	simm.s32 @p0 $0x1  }
0x13: {  	[smem:$0x3FB4] =	sst s0;
	s0 =	simm.s32 @!p1 $0x0  }
0x14: {  	s2 =	sld [smem:$0x3F98];
	s0 =	simm.s32 @p1 $0x1  }
0x15: {  	[smem:$0x3FB5] =	sst s0;
	s0 =	simm.s32 @!p2 $0x0  }
0x16: {  	s3 =	sld [smem:$0x3FDB];
	s0 =	simm.s32 @p2 $0x1  }
0x17: {  	s4 =	simm.s32 $0x1BF5;
	[smem:$0x3FB7] =	sst s0  }
0x18: {  	s0 =	sld [smem:$0x3F9A];
	_ =	swait.ge [sflag:s4], $0x0  }
0x19: {  	s7 =	sld [smem:$0x3F9B]  }
0x1a: {  	s8 =	sadd.s32 $0xFFFFE003, lr  }
0x1b: {  	s9 =	sadd.s32 $0xFFFFFEF7, lr;
	s5 =	simm.s32 $0xFFFFFFFF;
	p2 =	slt.u32 s8, $0xFFFFF086  }
0x1c: {  	p1 =	slt.u32 s9, $0xF7A;
	s5 =	simm.s32 @!p2 $0x0  }
0x1d: {  	s5 =	simm.s32 @p1 $0x1;
	p0 =	seq.s32 s7, s2  }
0x1e: {  	s7 =	smul.u32 @!p0 $0xF7A, s2;
	p2 =	seq.s32 @!p0 s5, $0x0  }
0x1f: {  	s9 =	smul.u32 $0xF7A, s1;
	s8 =	simm.s32 @!p0 $0x1BF5;
	p2 =	por !p2, p0  }
0x20: {  	[sflag:s8] =	ssyncset.s32 @!p0 $0xFFFFF086;
	s6 =	sadd.s32 @!p0 s3, s7;
	s7 =	simm.s32 @!p0 $0x108  }
0x21: {  	s3 =	sadd.s32 s3, s9;
	s6 =	sadd.s32 @!p0 $0x88, s6;
	s7 =	simm.s32 @p2 $0x1082  }
0x22: {  	[simem:s7], [sflag:s8] =	dma.local @!p0 [hbm:s6], $0xF7A  }
0x23: {  	s9 =	sor.u32 $0xD0000000, s2;
	s6 =	simm.s32 $0x108;
	_ =	swait.ge @!p0 [sflag:s8], $0x0  }
0x24: {  	s3 =	sadd.s32 $0x88, s3;
	s6 =	simm.s32 @!p1 $0x1082;
	[sflag:s4] =	ssyncset.s32 $0xFFFFF086  }
0x25: {  	[simem:s6], [sflag:s4] =	dma.local [hbm:s3], $0xF7A  }
0x26: {  	[smem:$0x3F9B] =	sst s1;
	(tag) =	ssettag s2;
	_ =	strace s9  }
0x27: {  	s1 =	sld [smem:$0x3FAB]  }
0x28: {  	s2 =	sld [smem:$0x3FAC]  }
0x29: {  	s4 =	sld [smem:$0x3FAE]  }
0x2a: {  	p0 =	seq.s32 s5, $0x0;
	s5 =	sld [smem:$0x3FAF]  }
0x2b: {  	s6 =	sld [smem:$0x3FB0]  }
0x2c: {  	s7 =	sld [smem:$0x3FB1]  }
0x2d: {  	s3 =	simm.s32 $0x108;
	s8 =	sld [smem:$0x3FB2]  }
0x2e: {  	s3 =	simm.s32 @!p0 $0x1082;
	s9 =	sld [smem:$0x3FB3]  }
0x2f: {  	lr =	sadd.s32 s0, s3;
	s0 =	sld [smem:$0x3FAA]  }
0x30: {  	s3 =	sld [smem:$0x3FAD]  }
0x31: {  	[smem:$0x3FB6] =	sst s10  }
0x32: {  	s10 =	sld [smem:$0x3FB4];
	_ =	sdelay $0x3  }
0x33: {  	p0 =	seq.s32 s10, $0x1;
	s10 =	sld [smem:$0x3FB6];
	_ =	sdelay $0x3  }
0x34: {  	[smem:$0x3FB6] =	sst s10  }
0x35: {  	s10 =	sld [smem:$0x3FB5];
	_ =	sdelay $0x3  }
0x36: {  	p1 =	seq.s32 s10, $0x1;
	s10 =	sld [smem:$0x3FB6];
	_ =	sdelay $0x3  }
0x37: {  	[smem:$0x3FB6] =	sst s10  }
0x38: {  	s10 =	sld [smem:$0x3FB7]  }
0x39: {  	_ = 	snop;
	(pc) =	sbr.ind lr, $3  }
0x3a: {  	_ = 	snop  }
0x3b: {  	_ = 	snop  }
0x3c: {  	p2 =	seq.s32 s10, $0x1;
	s10 =	sld [smem:$0x3FB6]  }
0x3d: {  	_ =	shalt  }
0x3e: {  	_ =	shalt  }
0x3f: {  	_ =	shalt  }
0x40: {  	_ =	shalt  }
0x41: {  	_ =	shalt  }
0x42: {  	_ =	shalt  }
0x43: {  	_ =	shalt  }
0x44: {  	_ =	shalt  }
0x45: {  	_ =	shalt  }
0x46: {  	_ =	shalt  }
0x47: {  	_ =	shalt  }
0x48: {  	_ =	shalt  }
0x49: {  	_ =	shalt  }
0x4a: {  	_ =	shalt  }
0x4b: {  	_ =	shalt  }
0x4c: {  	_ =	shalt  }
0x4d: {  	_ =	shalt  }
0x4e: {  	_ =	shalt  }
0x4f: {  	_ =	shalt  }
0x50: {  	_ =	shalt  }
0x51: {  	_ =	shalt  }
0x52: {  	_ =	shalt  }
0x53: {  	_ =	shalt  }
0x54: {  	_ =	shalt  }
0x55: {  	_ =	shalt  }
0x56: {  	_ =	shalt  }
0x57: {  	_ =	shalt  }
0x58: {  	_ =	shalt  }
0x59: {  	_ =	shalt  }
0x5a: {  	_ =	shalt  }
0x5b: {  	_ =	shalt  }
0x5c: {  	_ =	shalt  }
0x5d: {  	_ =	shalt  }
0x5e: {  	_ =	shalt  }
0x5f: {  	_ =	shalt  }
0x60: {  	_ =	shalt  }
0x61: {  	_ =	shalt  }
0x62: {  	_ =	shalt  }
0x63: {  	_ =	shalt  }
0x64: {  	_ =	shalt  }
0x65: {  	_ =	shalt  }
0x66: {  	_ =	shalt  }
0x67: {  	_ =	shalt  }
0x68: {  	_ =	shalt  }
0x69: {  	_ =	shalt  }
0x6a: {  	_ =	shalt  }
0x6b: {  	_ =	shalt  }
0x6c: {  	_ =	shalt  }
0x6d: {  	_ =	shalt  }
0x6e: {  	_ =	shalt  }
0x6f: {  	_ =	shalt  }
0x70: {  	_ =	shalt  }
0x71: {  	_ =	shalt  }
0x72: {  	_ =	shalt  }
0x73: {  	_ =	shalt  }
0x74: {  	_ =	shalt  }
0x75: {  	_ =	shalt  }
0x76: {  	_ =	shalt  }
0x77: {  	_ =	shalt  }
0x78: {  	_ =	shalt  }
0x79: {  	_ =	shalt  }
0x7a: {  	_ =	shalt  }
0x7b: {  	_ =	shalt  }
0x7c: {  	_ =	shalt  }
0x7d: {  	_ =	shalt  }
0x7e: {  	_ =	shalt  }
0x7f: {  	_ =	shalt  }
0x80: {  	_ =	shalt  }
0x81: {  	_ =	shalt  }
0x82: {  	_ =	shalt  }
0x83: {  	_ =	shalt  }
0x84: {  	_ =	shalt  }
0x85: {  	_ =	shalt  }
0x86: {  	_ =	shalt  }
0x87: {  	_ =	shalt  }
.Lfunc_end0:
.L_simem_size_0:
called_computation_lowered:
.L_overlay_start_0:
0x88: {  	s2 =	sld [smem:$0x3FD9]  }
0x89: {  	s3 =	sld [smem:$0x3FFE];
	_ =	sdelay $0x1  }
0x8a: {  	s1 =	srdreg.scid  }
0x8b: {  	s0 =	sand.u32 $0x1, s1  }
0x8c: {  	s17 =	sshll.u32 s0, $0xA;
	s2 =	sadd.s32 s3, s2  }
0x8d: {  	s2 =	sadd.s32 s2, s17  }
0x8e: {  	[smem:$0x3FC2] =	sst s2  }
0x8f: {  	_ = 	snop  }
0x90: {  	s2 =	sld [smem:$0x3FC9]  }
0x91: {  	s18 =	sld [smem:$0x3FC8]  }
0x92: {  	s4 =	sld [smem:$0x3FC7]  }
0x93: {  	s5 =	sld [smem:$0x3FC6];
	(tm) =	ssettm $0x1  }
0x94: {  	s6 =	sld [smem:$0x3FFB];
	_ =	sdelay $0x3  }
0x95: {  	_ =	strace s6  }
0x96: {  	s6 =	sld [smem:$0x3FFC];
	_ =	sdelay $0x3  }
0x97: {  	_ =	strace s6  }
0x98: {  	s6 =	sld [smem:$0x3FFD];
	_ =	sdelay $0x3  }
0x99: {  	_ =	strace s6  }
0x9a: {  	_ =	strace $0x8FFFFFFF  }
0x9b: {  	s19 =	sld [smem:$0x3FDB];
	_ =	sdelay $0x1  }
0x9c: {  	s7 =	simm.s32 $_scs_section_size  }
0x9d: {  	s8 =	simm.s32 $_size__tile_overlayer_lowered;
	s9 =	simm.s32 $_tile_overlayer_lowered  }
0x9e: {  	s22 =	simm.s32 $0x1BFF;
	s21 =	sshll.u32 s9, $0x1;
	s6 =	sadd.s32 s7, s19  }
0x9f: {  	s10 =	simm.s32 $0x0;
	s20 =	sshll.u32 s8, $0x1;
	s8 =	sadd.s32 s21, s6  }
0xa0: {  	[timem:s10], [sflag:s22] =	dma.local [hbm:s8], s20  }
0xa1: {  	_ =	swait.ge [sflag:s22], s20  }
0xa2: {  	s7 =	ssub.s32 $0x0, s20;
	[sflag:s22] =	ssyncset.done $0x0  }
0xa3: {  	[sflag:s22] =	ssyncadd.s32 s7;
	_ =	sdelay $0x1  }
0xa4: {  	s23 =	simm.s32 $0x1B8B  }
0xa5: {  	_ =	swait.ge [sflag:s23], $0x1  }
0xa6: {  	[sflag:s23] =	ssyncset.done $0x0  }
0xa7: {  	s25 =	simm.s32 $0x1B8E;
	s24 =	sld [smem:$0x3FFE];
	[sflag:s23] =	ssyncadd.s32 $0xFFFFFFFF  }
0xa8: {  	s26 =	simm.s32 $execute0_lowered;
	[smem:$0x3FD2] =	sst s25  }
0xa9: {  	s8 =	sshll.u32 s26, $0x1;
	_ =	strace $0x80000046;
	[dreg:$0x1] =	wrdreg $0xFFFFFFFF  }
0xaa: {  	s28 =	simm.s32 $_size_execute0_lowered;
	s6 =	sadd.s32 s6, s8;
	[dreg:$0x0] =	wrdreg $0x0  }
0xab: {  	s8 =	sshll.u32 s28, $0x1;
	[dreg:$0x2] =	wrdreg s6  }
0xac: {  	[dreg:$0x3] =	wrdreg s8  }
0xad: {  	[dreg:$0x4] =	wrdreg $0xC0  }
0xae: {  	_ =	task [dreg:s10], $0x5FFFF  }
0xaf: {  	[dreg:$0x1] =	wrdreg $0xFFFFFFFF  }
0xb0: {  	[dreg:$0x0] =	wrdreg $0x60  }
0xb1: {  	[dreg:$0x2] =	wrdreg s2  }
0xb2: {  	[dreg:$0x3] =	wrdreg s18  }
0xb3: {  	[dreg:$0x4] =	wrdreg s4  }
0xb4: {  	[dreg:$0x5] =	wrdreg s5  }
0xb5: {  	[dreg:$0x6] =	wrdreg s24  }
0xb6: {  	[dreg:$0x7] =	wrdreg $0x9  }
0xb7: {  	_ =	task.clear_ibuf [dreg:s10], $0x8FFFF;
	_ =	strace $0x90000046  }
0xb8: {  	s29 =	simm.s32 $0x9;
	_ =	strace $0x80000048  }
0xb9: {  	_ =	swait.ge [sflag:s29], $0x1  }
0xba: {  	[sflag:s29] =	ssyncadd.s32 $0xFFFFFFFF  }
0xbb: {  	_ =	strace $0x90000048  }
0xbc: {  	_ =	sfence  }
0xbd: {  	s30 =	sld [smem:$0x0];
	_ =	sdelay $0x2  }
0xbe: {  	s31 =	sshll.u32 s1, $0xD;
	s1 =	sshrl.u32 s1, $0x2  }
0xbf: {  	s3 =	sand.u32 $0x4000, s31;
	s1 =	sadd.s32 s1, s30  }
0xc0: {  	s0 =	sor.u32 s3, s0;
	s1 =	sshll.u32 s1, $0x11  }
0xc1: {  	s0 =	sor.u32 s1, s0  }
0xc2: {  	s0 =	sadd.s32 $0x8F2B, s0  }
0xc3: {  	[sflag:s0] =	ssyncadd.remote.s32 $0x1  }
0xc4: {  	_ =	sfence.sel $0xFFFF  }
0xc5: {  	[dreg:$0x0] =	wrdreg $0xFFFFFFFF;
	(pc) =	sbr.abs _section_cstart, $3  }
0xc6: {  	[dreg:$0x1] =	wrdreg $0xFFFFFFFF  }
0xc7: {  	_ =	task.clear_ibuf [dreg:s10], $0x2FFFF;
	_ =	strace $0x9FFFFFFF  }
0xc8: {  	(tm) =	ssettm $0x7FFFFFFF  }
0xc9: {  	_ =	shalt  }
tec
execute0_lowered:
.L_overlay_start_1:
0x0: {  	(tag) =	ssettag $0x1  }
0x1: {  	s0 =	rddreg [dreg:$0x0]  }
0x2: {  	s1 =	rddreg [dreg:$0x1]  }
0x3: {  	s7 =	rddreg [dreg:$0x2]  }
0x4: {  	s8 =	rddreg [dreg:$0x3]  }
0x5: {  	s9 =	rddreg [dreg:$0x4];
	s2 =	simm.s32 $0x0;
	s3 =	srdreg.scid  }
0x6: {  	s6 =	stileid.u32;
	s13 =	simm.s32 $0x400;
	s14 =	simm.s32 $0x600  }
0x7: {  	s15 =	simm.s32 $0x80;
	s16 =	simm.s32 $0x800;
	s17 =	simm.s32 $0x2800  }
0x8: {  	s18 =	simm.s32 $0x4800;
	s19 =	simm.s32 $0x6800;
	s20 =	simm.s32 $0x1  }
0x9: {  	s24 =	simm.s32 $0x100;
	s25 =	simm.s32 $0x300;
	s28 =	simm.s32 $0x700  }
0xa: {  	s29 =	simm.s32 $0x180;
	s30 =	simm.s32 $0x380;
	s31 =	simm.s32 $0x580  }
0xb: {  	s21 =	simm.s32 $0x0;
	[smem:$0x7FF] =	sst s2;
	s4 =	sand.u32 $0x1, s3  }
0xc: {  	s6 =	sshll.u32 s6, $0x1;
	s3 =	sadd.s32 $0xF42400, s9;
	_ =	strace $0x80000047  }
0xd: {  	s5 =	ssub.s32 $0x2, s4;
	s11 =	sor.u32 s4, s6;
	s4 =	sadd.s32 $0x16E3600, s9  }
0xe: {  	s10 =	sshrl.u32 s5, $0x1;
	s12 =	sshll.u32 s11, $0x6;
	s26 =	sshll.u32 s11, $0x2  }
0xf: {  	s11 =	simm.s32 $0x2;
	s10 =	ssub.s32 s5, s10;
	s5 =	sadd.s32 s0, s12  }
0x10: {  	s6 =	sadd.s32 s1, s12;
	s7 =	sadd.s32 s7, s12;
	s8 =	sadd.s32 s8, s12  }
0x11: {  	s9 =	sadd.s32 s9, s26;
	s12 =	simm.s32 $0x200;
	s26 =	simm.s32 $0x500  }
0x12: {  	s0 =	simm.s32 $0x780;
	s1 =	simm.s32 $0x8800;
	s10 =	smax.u32 s10, $0x1  }
.LBB2_1:
0x13: {  	[tilespmem:s2], [sflag:$0x2] =	stream.linear.gather [hbm4b:s5+s2], $0x200, $0x38;
	[tilespmem:$0x8820] =	vst v63  }
0x14: {  	_ =	swait.ge [sflag:s11], $0x200  }
0x15: {  	[sflag:s11] =	ssyncset.done $0x0  }
0x16: {  	[sflag:s11] =	ssyncadd.s32 $0xFFFFFE00  }
0x17: {  	[tilespmem:s12], [sflag:$0x2] =	stream.linear.gather [hbm4b:s6+s2], $0x200, $0x38;
	[tilespmem:$0x8820] =	vst v63  }
0x18: {  	_ =	swait.ge [sflag:s11], $0x200  }
0x19: {  	[sflag:s11] =	ssyncset.done $0x0  }
0x1a: {  	[sflag:s11] =	ssyncadd.s32 $0xFFFFFE00  }
0x1b: {  	[tilespmem:s13], [sflag:$0x2] =	stream.linear.gather [hbm4b:s7+s2], $0x200, $0x38;
	[tilespmem:$0x8820] =	vst v63  }
0x1c: {  	_ =	swait.ge [sflag:s11], $0x200  }
0x1d: {  	[sflag:s11] =	ssyncset.done $0x0  }
0x1e: {  	[sflag:s11] =	ssyncadd.s32 $0xFFFFFE00  }
0x1f: {  	[tilespmem:s14], [sflag:$0x2] =	stream.linear.gather [hbm4b:s8+s2], $0x200, $0x38;
	[tilespmem:$0x8820] =	vst v63  }
0x20: {  	_ =	swait.ge [sflag:s11], $0x200  }
0x21: {  	[sflag:s11] =	ssyncset.done $0x0  }
0x22: {  	[sflag:s11] =	ssyncadd.s32 $0xFFFFFE00  }
0x23: {  	[tilespmem:s16], [sflag:$0x1] =	stream.indirect.gather [hbm4b:s3+s15], $0x40, s2, s15, $0xb8;
	[tilespmem:$0x8820] =	vst v63  }
0x24: {  	_ = 	snop  }
0x25: {  	[tilespmem:s17], [sflag:$0x1] =	stream.indirect.gather [hbm4b:s4+s15], $0x40, s12, s15, $0xb8;
	[tilespmem:$0x8820] =	vst v63  }
0x26: {  	_ = 	snop  }
0x27: {  	[tilespmem:s18], [sflag:$0x1] =	stream.indirect.gather [hbm4b:s3+s15], $0x40, s13, s15, $0xb8;
	[tilespmem:$0x8820] =	vst v63  }
0x28: {  	_ = 	snop  }
0x29: {  	[tilespmem:s19], [sflag:$0x1] =	stream.indirect.gather [hbm4b:s4+s15], $0x40, s14, s15, $0xb8;
	[tilespmem:$0x8820] =	vst v63  }
0x2a: {  	_ =	swait.ge [sflag:s20], $0x2000  }
0x2b: {  	[sflag:s20] =	ssyncset.done $0x0  }
0x2c: {  	[sflag:s20] =	ssyncadd.s32 $0xFFFFE000  }
0x2d: {  	_ =	swait.ge [sflag:s20], $0x2000  }
0x2e: {  	[sflag:s20] =	ssyncset.done $0x0  }
0x2f: {  	[sflag:s20] =	ssyncadd.s32 $0xFFFFE000  }
0x30: {  	_ =	swait.ge [sflag:s20], $0x2000  }
0x31: {  	[sflag:s20] =	ssyncset.done $0x0  }
0x32: {  	[sflag:s20] =	ssyncadd.s32 $0xFFFFE000  }
0x33: {  	_ =	swait.ge [sflag:s20], $0x2000  }
0x34: {  	[sflag:s20] =	ssyncset.done $0x0  }
0x35: {  	s23 =	simm.s32 $0x0;
	[sflag:s20] =	ssyncadd.s32 $0xFFFFE000  }
0x36: {  	v0 =	vld [tilespmem:s23+$0x4830]  }
0x37: {  	v1 =	vld [tilespmem:s23+$0x6830]  }
0x38: {  	v2 =	vld [tilespmem:s23+$0x800]  }
0x39: {  	v3 =	vld [tilespmem:s23+$0x2800]  }
0x3a: {  	v5 =	vld [tilespmem:s23+$0x810]  }
0x3b: {  	v6 =	vld [tilespmem:s23+$0x2810]  }
0x3c: {  	v7 =	vld [tilespmem:s23+$0x820]  }
0x3d: {  	v9 =	vld [tilespmem:s23+$0x2820]  }
0x3e: {  	v10 =	vld [tilespmem:s23+$0x830]  }
0x3f: {  	v11 =	vld [tilespmem:s23+$0x2830]  }
0x40: {  	v13 =	vld [tilespmem:s23+$0x4800]  }
0x41: {  	v14 =	vld [tilespmem:s23+$0x6800]  }
0x42: {  	v0 =	vmul.f32 v1, v0  }
0x43: {  	v4 =	vimm.f32 $0.0e+00;
	v8 =	vld [tilespmem:s23+$0x4810];
	v1 =	vmul.f32 v3, v2;
	v2 =	vmul.f32 v6, v5  }
0x44: {  	v6 =	vmul.f32 v11, v10;
	v3 =	vadd.f32 v0, v4;
	v0 =	vmul.f32 v9, v7;
	v9 =	vld [tilespmem:s23+$0x6810]  }
0x45: {  	v12 =	vld [tilespmem:s23+$0x6820];
	v5 =	vadd.f32 v1, v4  }
0x46: {  	s22 =	simm.s32 $0x40;
	v10 =	vld [tilespmem:s23+$0x4820];
	v13 =	vmul.f32 v14, v13;
	v1 =	vadd.f32 v2, v4;
	v2 =	vadd.f32 v6, v4  }
0x47: {  	v11 =	vld [tilespmem:s22+$0x4830];
	s23 =	simm.s32 $0x200;
	v7 =	vimm.f32 $0.0e+00;
	v6 =	vimm.f32 $0.0e+00;
	v0 =	vadd.f32 v0, v4  }
.LBB2_2:
0x48: {  	p0 =	sne.s32 s23, $0x7F00;
	v14 =	vld [tilespmem:s22+$0x6830]  }
0x49: {  	v15 =	vld [tilespmem:s22+$0x800];
	v4 =	vadd.f32 v13, v4;
	v8 =	vmul.f32 v9, v8  }
0x4a: {  	v9 =	vld [tilespmem:s22+$0x2800]  }
0x4b: {  	v13 =	vld [tilespmem:s22+$0x810];
	v7 =	vadd.f32 v8, v7;
	v8 =	vmul.f32 v12, v10  }
0x4c: {  	v10 =	vld [tilespmem:s22+$0x2810]  }
0x4d: {  	v12 =	vld [tilespmem:s22+$0x820];
	v11 =	vmul.f32 v14, v11;
	v6 =	vadd.f32 v8, v6  }
0x4e: {  	v8 =	vld [tilespmem:s22+$0x2820]  }
0x4f: {  	v9 =	vmul.f32 v9, v15;
	v14 =	vld [tilespmem:s22+$0x830];
	v3 =	vadd.f32 v11, v3  }
0x50: {  	v11 =	vld [tilespmem:s22+$0x2830]  }
0x51: {  	v5 =	vadd.f32 v9, v5;
	v9 =	vmul.f32 v10, v13;
	v13 =	vld [tilespmem:s22+$0x4800]  }
0x52: {  	v15 =	vld [tilespmem:s22+$0x6800]  }
.Ltmp0:
0x53: {  	v1 =	vadd.f32 v9, v1;
	v10 =	vmul.f32 v8, v12;
	v8 =	vld [tilespmem:s22+$0x4810];
	(pc) =	sbr.rel @p0 .LBB2_2-.Ltmp0, $4  }
0x54: {  	v9 =	vld [tilespmem:s22+$0x6810]  }
0x55: {  	v0 =	vadd.f32 v10, v0;
	v14 =	vmul.f32 v11, v14;
	v10 =	vld [tilespmem:s22+$0x4820]  }
0x56: {  	v12 =	vld [tilespmem:s22+$0x6820];
	s22 =	sshra.s32 s23, $0x2  }
0x57: {  	s23 =	sadd.s32 $0x100, s23;
	v11 =	vld [tilespmem:s22+$0x4830];
	v2 =	vadd.f32 v14, v2;
	v13 =	vmul.f32 v15, v13  }
0x58: {  	v14 =	vld [tilespmem:s22+$0x6830]  }
0x59: {  	v15 =	vld [tilespmem:s22+$0x800]  }
0x5a: {  	v16 =	vld [tilespmem:s22+$0x2800]  }
0x5b: {  	v17 =	vld [tilespmem:s22+$0x810]  }
0x5c: {  	v18 =	vld [tilespmem:s22+$0x2810]  }
0x5d: {  	v19 =	vld [tilespmem:s22+$0x820]  }
0x5e: {  	v20 =	vld [tilespmem:s22+$0x2820]  }
0x5f: {  	v21 =	vld [tilespmem:s22+$0x830]  }
0x60: {  	v22 =	vld [tilespmem:s22+$0x2830]  }
0x61: {  	v23 =	vld [tilespmem:s22+$0x4800]  }
0x62: {  	v24 =	vld [tilespmem:s22+$0x6800]  }
0x63: {  	v25 =	vld [tilespmem:s22+$0x4810]  }
0x64: {  	v26 =	vld [tilespmem:s22+$0x6810]  }
0x65: {  	v27 =	vld [tilespmem:s22+$0x4820]  }
0x66: {  	v28 =	vld [tilespmem:s22+$0x6820];
	[tilespmem:s16], [sflag:$0x1] =	stream.indirect.gather [hbm4b:s3+s15], $0x40, s15, s15, $0xb8  }
0x67: {  	s23 =	simm.s32 $0x280  }
0x68: {  	[tilespmem:s17], [sflag:$0x1] =	stream.indirect.gather [hbm4b:s4+s15], $0x40, s23, s15, $0xb8;
	[tilespmem:$0x8820] =	vst v63  }
0x69: {  	s23 =	simm.s32 $0x480  }
0x6a: {  	[tilespmem:s18], [sflag:$0x1] =	stream.indirect.gather [hbm4b:s3+s15], $0x40, s23, s15, $0xb8;
	[tilespmem:$0x8820] =	vst v63  }
0x6b: {  	s23 =	simm.s32 $0x680  }
0x6c: {  	[tilespmem:s19], [sflag:$0x1] =	stream.indirect.gather [hbm4b:s4+s15], $0x40, s23, s15, $0xb8;
	[tilespmem:$0x8820] =	vst v63  }
0x6d: {  	_ =	swait.ge [sflag:s20], $0x2000  }
0x6e: {  	[sflag:s20] =	ssyncset.done $0x0  }
0x6f: {  	[sflag:s20] =	ssyncadd.s32 $0xFFFFE000  }
0x70: {  	_ =	swait.ge [sflag:s20], $0x2000  }
0x71: {  	[sflag:s20] =	ssyncset.done $0x0  }
0x72: {  	[sflag:s20] =	ssyncadd.s32 $0xFFFFE000  }
0x73: {  	_ =	swait.ge [sflag:s20], $0x2000  }
0x74: {  	[sflag:s20] =	ssyncset.done $0x0  }
0x75: {  	[sflag:s20] =	ssyncadd.s32 $0xFFFFE000  }
0x76: {  	_ =	swait.ge [sflag:s20], $0x2000  }
0x77: {  	[sflag:s20] =	ssyncset.done $0x0  }
0x78: {  	s23 =	simm.s32 $0x0;
	[sflag:s20] =	ssyncadd.s32 $0xFFFFE000  }
0x79: {  	v29 =	vld [tilespmem:s23+$0x4830]  }
0x7a: {  	v30 =	vld [tilespmem:s23+$0x6830]  }
0x7b: {  	v31 =	vld [tilespmem:s23+$0x800]  }
0x7c: {  	v32 =	vld [tilespmem:s23+$0x2800]  }
0x7d: {  	v33 =	vld [tilespmem:s23+$0x810]  }
0x7e: {  	v8 =	vmul.f32 v9, v8;
	v9 =	vld [tilespmem:s23+$0x2810]  }
0x7f: {  	v10 =	vmul.f32 v12, v10;
	v11 =	vmul.f32 v14, v11;
	v12 =	vld [tilespmem:s23+$0x820]  }
0x80: {  	v4 =	vadd.f32 v13, v4;
	v7 =	vadd.f32 v8, v7;
	v8 =	vmul.f32 v16, v15;
	v13 =	vld [tilespmem:s23+$0x2820]  }
0x81: {  	v6 =	vadd.f32 v10, v6;
	v10 =	vmul.f32 v18, v17;
	v3 =	vadd.f32 v11, v3;
	v11 =	vld [tilespmem:s23+$0x830]  }
0x82: {  	v14 =	vmul.f32 v22, v21;
	v5 =	vadd.f32 v8, v5;
	v8 =	vmul.f32 v20, v19;
	v15 =	vld [tilespmem:s23+$0x2830]  }
0x83: {  	v59 =	vadd.f32 v10, v1;
	v1 =	vmul.f32 v24, v23;
	v10 =	vmul.f32 v26, v25;
	v60 =	vld [tilespmem:s23+$0x4800]  }
0x84: {  	v14 =	vadd.f32 v14, v2;
	v2 =	vmul.f32 v28, v27;
	v61 =	vadd.f32 v8, v0;
	v62 =	vld [tilespmem:s23+$0x6800]  }
0x85: {  	v0 =	vadd.f32 v1, v4;
	v1 =	vadd.f32 v10, v7;
	v8 =	vld [tilespmem:s23+$0x4810];
	v4 =	vmul.f32 v30, v29  }
0x86: {  	v2 =	vadd.f32 v2, v6;
	v7 =	vmul.f32 v32, v31;
	v63 =	vmul.f32 v9, v33;
	v9 =	vld [tilespmem:s23+$0x6810]  }
0x87: {  	v10 =	vld [tilespmem:s23+$0x4820];
	v6 =	vadd.f32 v4, v3;
	v3 =	vmul.f32 v13, v12;
	v13 =	vmul.f32 v15, v11  }
0x88: {  	s22 =	simm.s32 $0x40;
	v7 =	vadd.f32 v7, v5;
	v4 =	vadd.f32 v63, v59;
	v12 =	vld [tilespmem:s23+$0x6820]  }
0x89: {  	v11 =	vld [tilespmem:s22+$0x4830];
	s23 =	simm.s32 $0x200;
	v3 =	vadd.f32 v3, v61;
	v5 =	vadd.f32 v13, v14;
	v13 =	vmul.f32 v62, v60  }
.LBB2_4:
0x8a: {  	p0 =	sne.s32 s23, $0x7F00;
	v14 =	vld [tilespmem:s22+$0x6830]  }
0x8b: {  	v15 =	vld [tilespmem:s22+$0x800];
	v0 =	vadd.f32 v13, v0;
	v8 =	vmul.f32 v9, v8  }
0x8c: {  	v9 =	vld [tilespmem:s22+$0x2800]  }
0x8d: {  	v13 =	vld [tilespmem:s22+$0x810];
	v1 =	vadd.f32 v8, v1;
	v8 =	vmul.f32 v12, v10  }
0x8e: {  	v10 =	vld [tilespmem:s22+$0x2810]  }
0x8f: {  	v12 =	vld [tilespmem:s22+$0x820];
	v11 =	vmul.f32 v14, v11;
	v2 =	vadd.f32 v8, v2  }
0x90: {  	v8 =	vld [tilespmem:s22+$0x2820]  }
0x91: {  	v9 =	vmul.f32 v9, v15;
	v14 =	vld [tilespmem:s22+$0x830];
	v6 =	vadd.f32 v11, v6  }
0x92: {  	v11 =	vld [tilespmem:s22+$0x2830]  }
0x93: {  	v7 =	vadd.f32 v9, v7;
	v9 =	vmul.f32 v10, v13;
	v13 =	vld [tilespmem:s22+$0x4800]  }
0x94: {  	v15 =	vld [tilespmem:s22+$0x6800]  }
.Ltmp1:
0x95: {  	v4 =	vadd.f32 v9, v4;
	v10 =	vmul.f32 v8, v12;
	v8 =	vld [tilespmem:s22+$0x4810];
	(pc) =	sbr.rel @p0 .LBB2_4-.Ltmp1, $4  }
0x96: {  	v9 =	vld [tilespmem:s22+$0x6810]  }
0x97: {  	v3 =	vadd.f32 v10, v3;
	v14 =	vmul.f32 v11, v14;
	v10 =	vld [tilespmem:s22+$0x4820]  }
0x98: {  	v12 =	vld [tilespmem:s22+$0x6820];
	s22 =	sshra.s32 s23, $0x2  }
0x99: {  	s23 =	sadd.s32 $0x100, s23;
	v11 =	vld [tilespmem:s22+$0x4830];
	v5 =	vadd.f32 v14, v5;
	v13 =	vmul.f32 v15, v13  }
0x9a: {  	v14 =	vld [tilespmem:s22+$0x6830]  }
0x9b: {  	v15 =	vld [tilespmem:s22+$0x800]  }
0x9c: {  	v16 =	vld [tilespmem:s22+$0x2800]  }
0x9d: {  	v17 =	vld [tilespmem:s22+$0x810]  }
0x9e: {  	v18 =	vld [tilespmem:s22+$0x2810]  }
0x9f: {  	v19 =	vld [tilespmem:s22+$0x820]  }
0xa0: {  	v20 =	vld [tilespmem:s22+$0x2820]  }
0xa1: {  	v21 =	vld [tilespmem:s22+$0x830]  }
0xa2: {  	v22 =	vld [tilespmem:s22+$0x2830]  }
0xa3: {  	v23 =	vld [tilespmem:s22+$0x4800]  }
0xa4: {  	v24 =	vld [tilespmem:s22+$0x6800]  }
0xa5: {  	v25 =	vld [tilespmem:s22+$0x4810]  }
0xa6: {  	v26 =	vld [tilespmem:s22+$0x6810]  }
0xa7: {  	v27 =	vld [tilespmem:s22+$0x4820]  }
0xa8: {  	v28 =	vld [tilespmem:s22+$0x6820];
	[tilespmem:s16], [sflag:$0x1] =	stream.indirect.gather [hbm4b:s3+s15], $0x40, s24, s15, $0xb8  }
0xa9: {  	_ = 	snop  }
0xaa: {  	[tilespmem:s17], [sflag:$0x1] =	stream.indirect.gather [hbm4b:s4+s15], $0x40, s25, s15, $0xb8;
	[tilespmem:$0x8820] =	vst v63  }
0xab: {  	_ = 	snop  }
0xac: {  	[tilespmem:s18], [sflag:$0x1] =	stream.indirect.gather [hbm4b:s3+s15], $0x40, s26, s15, $0xb8;
	[tilespmem:$0x8820] =	vst v63  }
0xad: {  	_ = 	snop  }
0xae: {  	[tilespmem:s19], [sflag:$0x1] =	stream.indirect.gather [hbm4b:s4+s15], $0x40, s28, s15, $0xb8;
	[tilespmem:$0x8820] =	vst v63  }
0xaf: {  	_ =	swait.ge [sflag:s20], $0x2000  }
0xb0: {  	[sflag:s20] =	ssyncset.done $0x0  }
0xb1: {  	[sflag:s20] =	ssyncadd.s32 $0xFFFFE000  }
0xb2: {  	_ =	swait.ge [sflag:s20], $0x2000  }
0xb3: {  	[sflag:s20] =	ssyncset.done $0x0  }
0xb4: {  	[sflag:s20] =	ssyncadd.s32 $0xFFFFE000  }
0xb5: {  	_ =	swait.ge [sflag:s20], $0x2000  }
0xb6: {  	[sflag:s20] =	ssyncset.done $0x0  }
0xb7: {  	[sflag:s20] =	ssyncadd.s32 $0xFFFFE000  }
0xb8: {  	_ =	swait.ge [sflag:s20], $0x2000  }
0xb9: {  	[sflag:s20] =	ssyncset.done $0x0  }
0xba: {  	s23 =	simm.s32 $0x0;
	[sflag:s20] =	ssyncadd.s32 $0xFFFFE000  }
0xbb: {  	v29 =	vld [tilespmem:s23+$0x4830]  }
0xbc: {  	v30 =	vld [tilespmem:s23+$0x6830]  }
0xbd: {  	v31 =	vld [tilespmem:s23+$0x800]  }
0xbe: {  	v32 =	vld [tilespmem:s23+$0x2800]  }
0xbf: {  	v33 =	vld [tilespmem:s23+$0x810]  }
0xc0: {  	v8 =	vmul.f32 v9, v8;
	v9 =	vld [tilespmem:s23+$0x2810]  }
0xc1: {  	v10 =	vmul.f32 v12, v10;
	v11 =	vmul.f32 v14, v11;
	v12 =	vld [tilespmem:s23+$0x820]  }
0xc2: {  	v0 =	vadd.f32 v13, v0;
	v1 =	vadd.f32 v8, v1;
	v8 =	vmul.f32 v16, v15;
	v13 =	vld [tilespmem:s23+$0x2820]  }
0xc3: {  	v2 =	vadd.f32 v10, v2;
	v10 =	vmul.f32 v18, v17;
	v6 =	vadd.f32 v11, v6;
	v11 =	vld [tilespmem:s23+$0x830]  }
0xc4: {  	v14 =	vmul.f32 v22, v21;
	v60 =	vmul.f32 v26, v25;
	v7 =	vadd.f32 v8, v7;
	v15 =	vld [tilespmem:s23+$0x2830]  }
0xc5: {  	v8 =	vmul.f32 v20, v19;
	v4 =	vadd.f32 v10, v4;
	v10 =	vmul.f32 v24, v23;
	v61 =	vld [tilespmem:s23+$0x4800]  }
0xc6: {  	v5 =	vadd.f32 v14, v5;
	v14 =	vmul.f32 v28, v27;
	v1 =	vadd.f32 v60, v1;
	v62 =	vld [tilespmem:s23+$0x6800]  }
0xc7: {  	v3 =	vadd.f32 v8, v3;
	v0 =	vadd.f32 v10, v0;
	v8 =	vld [tilespmem:s23+$0x4810];
	v10 =	vmul.f32 v30, v29  }
0xc8: {  	v2 =	vadd.f32 v14, v2;
	v14 =	vmul.f32 v32, v31;
	v63 =	vmul.f32 v9, v33;
	v9 =	vld [tilespmem:s23+$0x6810]  }
0xc9: {  	v13 =	vmul.f32 v13, v12;
	v15 =	vmul.f32 v15, v11;
	v12 =	vld [tilespmem:s23+$0x6820];
	v6 =	vadd.f32 v10, v6  }
0xca: {  	s22 =	simm.s32 $0x40;
	v10 =	vld [tilespmem:s23+$0x4820];
	v7 =	vadd.f32 v14, v7;
	v4 =	vadd.f32 v63, v4  }
0xcb: {  	v11 =	vld [tilespmem:s22+$0x4830];
	v3 =	vadd.f32 v13, v3;
	s23 =	simm.s32 $0x200;
	v5 =	vadd.f32 v15, v5;
	v13 =	vmul.f32 v62, v61  }
.LBB2_6:
0xcc: {  	p0 =	sne.s32 s23, $0x7F00;
	v14 =	vld [tilespmem:s22+$0x6830]  }
0xcd: {  	v15 =	vld [tilespmem:s22+$0x800];
	v0 =	vadd.f32 v13, v0;
	v8 =	vmul.f32 v9, v8  }
0xce: {  	v9 =	vld [tilespmem:s22+$0x2800]  }
0xcf: {  	v13 =	vld [tilespmem:s22+$0x810];
	v1 =	vadd.f32 v8, v1;
	v8 =	vmul.f32 v12, v10  }
0xd0: {  	v10 =	vld [tilespmem:s22+$0x2810]  }
0xd1: {  	v12 =	vld [tilespmem:s22+$0x820];
	v11 =	vmul.f32 v14, v11;
	v2 =	vadd.f32 v8, v2  }
0xd2: {  	v8 =	vld [tilespmem:s22+$0x2820]  }
0xd3: {  	v9 =	vmul.f32 v9, v15;
	v14 =	vld [tilespmem:s22+$0x830];
	v6 =	vadd.f32 v11, v6  }
0xd4: {  	v11 =	vld [tilespmem:s22+$0x2830]  }
0xd5: {  	v7 =	vadd.f32 v9, v7;
	v9 =	vmul.f32 v10, v13;
	v13 =	vld [tilespmem:s22+$0x4800]  }
0xd6: {  	v15 =	vld [tilespmem:s22+$0x6800]  }
.Ltmp2:
0xd7: {  	v4 =	vadd.f32 v9, v4;
	v10 =	vmul.f32 v8, v12;
	v8 =	vld [tilespmem:s22+$0x4810];
	(pc) =	sbr.rel @p0 .LBB2_6-.Ltmp2, $4  }
0xd8: {  	v9 =	vld [tilespmem:s22+$0x6810]  }
0xd9: {  	v3 =	vadd.f32 v10, v3;
	v14 =	vmul.f32 v11, v14;
	v10 =	vld [tilespmem:s22+$0x4820]  }
0xda: {  	v12 =	vld [tilespmem:s22+$0x6820];
	s22 =	sshra.s32 s23, $0x2  }
0xdb: {  	s23 =	sadd.s32 $0x100, s23;
	v11 =	vld [tilespmem:s22+$0x4830];
	v5 =	vadd.f32 v14, v5;
	v13 =	vmul.f32 v15, v13  }
0xdc: {  	v14 =	vld [tilespmem:s22+$0x6830]  }
0xdd: {  	v15 =	vld [tilespmem:s22+$0x800]  }
0xde: {  	v16 =	vld [tilespmem:s22+$0x2800]  }
0xdf: {  	v17 =	vld [tilespmem:s22+$0x810]  }
0xe0: {  	v18 =	vld [tilespmem:s22+$0x2810]  }
0xe1: {  	v19 =	vld [tilespmem:s22+$0x820]  }
0xe2: {  	v20 =	vld [tilespmem:s22+$0x2820]  }
0xe3: {  	v21 =	vld [tilespmem:s22+$0x830]  }
0xe4: {  	v22 =	vld [tilespmem:s22+$0x2830]  }
0xe5: {  	v23 =	vld [tilespmem:s22+$0x4800]  }
0xe6: {  	v24 =	vld [tilespmem:s22+$0x6800]  }
0xe7: {  	v25 =	vld [tilespmem:s22+$0x4810]  }
0xe8: {  	v26 =	vld [tilespmem:s22+$0x6810]  }
0xe9: {  	v27 =	vld [tilespmem:s22+$0x4820]  }
0xea: {  	v28 =	vld [tilespmem:s22+$0x6820];
	[tilespmem:s16], [sflag:$0x1] =	stream.indirect.gather [hbm4b:s3+s15], $0x40, s29, s15, $0xb8  }
0xeb: {  	_ = 	snop  }
0xec: {  	[tilespmem:s17], [sflag:$0x1] =	stream.indirect.gather [hbm4b:s4+s15], $0x40, s30, s15, $0xb8;
	[tilespmem:$0x8820] =	vst v63  }
0xed: {  	_ = 	snop  }
0xee: {  	[tilespmem:s18], [sflag:$0x1] =	stream.indirect.gather [hbm4b:s3+s15], $0x40, s31, s15, $0xb8;
	[tilespmem:$0x8820] =	vst v63  }
0xef: {  	_ = 	snop  }
0xf0: {  	[tilespmem:s19], [sflag:$0x1] =	stream.indirect.gather [hbm4b:s4+s15], $0x40, s0, s15, $0xb8;
	[tilespmem:$0x8820] =	vst v63  }
0xf1: {  	_ =	swait.ge [sflag:s20], $0x2000  }
0xf2: {  	[sflag:s20] =	ssyncset.done $0x0  }
0xf3: {  	[sflag:s20] =	ssyncadd.s32 $0xFFFFE000  }
0xf4: {  	_ =	swait.ge [sflag:s20], $0x2000  }
0xf5: {  	[sflag:s20] =	ssyncset.done $0x0  }
0xf6: {  	[sflag:s20] =	ssyncadd.s32 $0xFFFFE000  }
0xf7: {  	_ =	swait.ge [sflag:s20], $0x2000  }
0xf8: {  	[sflag:s20] =	ssyncset.done $0x0  }
0xf9: {  	[sflag:s20] =	ssyncadd.s32 $0xFFFFE000  }
0xfa: {  	_ =	swait.ge [sflag:s20], $0x2000  }
0xfb: {  	[sflag:s20] =	ssyncset.done $0x0  }
0xfc: {  	s23 =	simm.s32 $0x0;
	[sflag:s20] =	ssyncadd.s32 $0xFFFFE000  }
0xfd: {  	v29 =	vld [tilespmem:s23+$0x4830]  }
0xfe: {  	v30 =	vld [tilespmem:s23+$0x6830]  }
0xff: {  	v31 =	vld [tilespmem:s23+$0x800]  }
0x100: {  	v32 =	vld [tilespmem:s23+$0x2800]  }
0x101: {  	v33 =	vld [tilespmem:s23+$0x810]  }
0x102: {  	v8 =	vmul.f32 v9, v8;
	v9 =	vld [tilespmem:s23+$0x2810]  }
0x103: {  	v10 =	vmul.f32 v12, v10;
	v11 =	vmul.f32 v14, v11;
	v12 =	vld [tilespmem:s23+$0x820]  }
0x104: {  	v0 =	vadd.f32 v13, v0;
	v8 =	vadd.f32 v8, v1;
	v1 =	vmul.f32 v16, v15;
	v13 =	vld [tilespmem:s23+$0x2820]  }
0x105: {  	v2 =	vadd.f32 v10, v2;
	v10 =	vmul.f32 v18, v17;
	v6 =	vadd.f32 v11, v6;
	v11 =	vld [tilespmem:s23+$0x830]  }
0x106: {  	v14 =	vmul.f32 v22, v21;
	v7 =	vadd.f32 v1, v7;
	v1 =	vmul.f32 v20, v19;
	v15 =	vld [tilespmem:s23+$0x2830]  }
0x107: {  	v58 =	vmul.f32 v26, v25;
	v4 =	vadd.f32 v10, v4;
	v10 =	vmul.f32 v24, v23;
	v59 =	vld [tilespmem:s23+$0x4800]  }
0x108: {  	v14 =	vadd.f32 v14, v5;
	v60 =	vadd.f32 v1, v3;
	v3 =	vmul.f32 v28, v27;
	v61 =	vld [tilespmem:s23+$0x6800]  }
0x109: {  	v1 =	vadd.f32 v10, v0;
	v0 =	vadd.f32 v58, v8;
	v8 =	vld [tilespmem:s23+$0x4810];
	v5 =	vmul.f32 v30, v29  }
0x10a: {  	v2 =	vadd.f32 v3, v2;
	v62 =	vmul.f32 v32, v31;
	v63 =	vmul.f32 v9, v33;
	v9 =	vld [tilespmem:s23+$0x6810]  }
0x10b: {  	v10 =	vld [tilespmem:s23+$0x4820];
	v3 =	vadd.f32 v5, v6;
	v5 =	vmul.f32 v13, v12;
	v6 =	vmul.f32 v15, v11  }
0x10c: {  	s22 =	simm.s32 $0x40;
	v7 =	vadd.f32 v62, v7;
	v4 =	vadd.f32 v63, v4;
	v12 =	vld [tilespmem:s23+$0x6820]  }
0x10d: {  	v11 =	vld [tilespmem:s22+$0x4830];
	s23 =	simm.s32 $0x200;
	v13 =	vmul.f32 v61, v59;
	v5 =	vadd.f32 v5, v60;
	v6 =	vadd.f32 v6, v14  }
.LBB2_8:
0x10e: {  	p0 =	sne.s32 s23, $0x7F00;
	v14 =	vld [tilespmem:s22+$0x6830]  }
0x10f: {  	v15 =	vld [tilespmem:s22+$0x800];
	v1 =	vadd.f32 v13, v1;
	v8 =	vmul.f32 v9, v8  }
0x110: {  	v9 =	vld [tilespmem:s22+$0x2800]  }
0x111: {  	v13 =	vld [tilespmem:s22+$0x810];
	v0 =	vadd.f32 v8, v0;
	v8 =	vmul.f32 v12, v10  }
0x112: {  	v10 =	vld [tilespmem:s22+$0x2810]  }
0x113: {  	v12 =	vld [tilespmem:s22+$0x820];
	v11 =	vmul.f32 v14, v11;
	v2 =	vadd.f32 v8, v2  }
0x114: {  	v8 =	vld [tilespmem:s22+$0x2820]  }
0x115: {  	v9 =	vmul.f32 v9, v15;
	v14 =	vld [tilespmem:s22+$0x830];
	v3 =	vadd.f32 v11, v3  }
0x116: {  	v11 =	vld [tilespmem:s22+$0x2830]  }
0x117: {  	v7 =	vadd.f32 v9, v7;
	v9 =	vmul.f32 v10, v13;
	v13 =	vld [tilespmem:s22+$0x4800]  }
0x118: {  	v15 =	vld [tilespmem:s22+$0x6800]  }
.Ltmp3:
0x119: {  	v4 =	vadd.f32 v9, v4;
	v10 =	vmul.f32 v8, v12;
	v8 =	vld [tilespmem:s22+$0x4810];
	(pc) =	sbr.rel @p0 .LBB2_8-.Ltmp3, $4  }
0x11a: {  	v9 =	vld [tilespmem:s22+$0x6810]  }
0x11b: {  	v5 =	vadd.f32 v10, v5;
	v14 =	vmul.f32 v11, v14;
	v10 =	vld [tilespmem:s22+$0x4820]  }
0x11c: {  	v12 =	vld [tilespmem:s22+$0x6820];
	s22 =	sshra.s32 s23, $0x2  }
0x11d: {  	s23 =	sadd.s32 $0x100, s23;
	v11 =	vld [tilespmem:s22+$0x4830];
	v6 =	vadd.f32 v14, v6;
	v13 =	vmul.f32 v15, v13  }
0x11e: {  	v14 =	vld [tilespmem:s22+$0x6830]  }
0x11f: {  	v15 =	vld [tilespmem:s22+$0x800]  }
0x120: {  	v16 =	vld [tilespmem:s22+$0x2800]  }
0x121: {  	v17 =	vld [tilespmem:s22+$0x810]  }
0x122: {  	v18 =	vld [tilespmem:s22+$0x2810]  }
0x123: {  	v19 =	vld [tilespmem:s22+$0x820]  }
0x124: {  	v20 =	vld [tilespmem:s22+$0x2820]  }
0x125: {  	v21 =	vld [tilespmem:s22+$0x830]  }
0x126: {  	v22 =	vld [tilespmem:s22+$0x2830]  }
0x127: {  	v23 =	vld [tilespmem:s22+$0x4800]  }
0x128: {  	v24 =	vld [tilespmem:s22+$0x6800]  }
0x129: {  	v25 =	vld [tilespmem:s22+$0x4810]  }
0x12a: {  	v26 =	vld [tilespmem:s22+$0x6810]  }
0x12b: {  	v27 =	vld [tilespmem:s22+$0x4820]  }
0x12c: {  	v55 =	vld [tilespmem:s22+$0x6820];
	v8 =	vmul.f32 v9, v8;
	v54 =	vmul.f32 v12, v10  }
0x12d: {  	v1 =	vadd.f32 v13, v1;
	v11 =	vmul.f32 v14, v11;
	v56 =	vmul.f32 v16, v15  }
0x12e: {  	v0 =	vadd.f32 v8, v0;
	v57 =	vmul.f32 v18, v17;
	v58 =	vmul.f32 v20, v19  }
0x12f: {  	v2 =	vadd.f32 v54, v2;
	v59 =	vmul.f32 v22, v21;
	v60 =	vmul.f32 v24, v23  }
0x130: {  	v61 =	vmul.f32 v26, v25;
	v3 =	vadd.f32 v11, v3;
	v7 =	vadd.f32 v56, v7  }
0x131: {  	v10 =	vmul.f32 v55, v27;
	v4 =	vadd.f32 v57, v4;
	v5 =	vadd.f32 v58, v5  }
0x132: {  	v6 =	vadd.f32 v59, v6;
	v1 =	vadd.f32 v60, v1  }
0x133: {  	v0 =	vadd.f32 v61, v0;
	v2 =	vadd.f32 v10, v2  }
0x134: {  	v4 =	vadd.f32 v4, v7;
	v5 =	vadd.f32 v6, v5  }
0x135: {  	v0 =	vadd.f32 v0, v1;
	v62 =	vadd.f32 v3, v2  }
0x136: {  	v63 =	vadd.f32 v5, v4  }
0x137: {  	s21 =	sadd.s32 $0x1, s21;
	v0 =	vadd.f32 v62, v0  }
0x138: {  	p0 =	sne.s32 s21, s10;
	[tilespmem:$0x8800] =	vst v63  }
.Ltmp4:
0x139: {  	[tilespmem:$0x8810] =	vst v0;
	(pc) =	sbr.rel @p0 .LBB2_1-.Ltmp4, $4  }
0x13a: {  	[hbm4b:s9+s2] =	stream.linear.scatter [tilespmem:s1], [sflag:$0x2], $0x20, $0x38;
	[tilespmem:$0x8820] =	vst v63  }
0x13b: {  	_ =	swait.ge [sflag:s11], $0x20  }
0x13c: {  	[sflag:s11] =	ssyncset.done $0x0  }
0x13d: {  	[sflag:s11] =	ssyncadd.s32 $0xFFFFFFE0  }
0x13e: {  	_ =	sfence.sel $0x180000  }
0x13f: {  	[bflag:$0x0] =	sbarrier.arrive $0xFFFF  }
0x140: {  	_ =	strace $0x90000047  }
0x141: {  	s0 =	stileid.u32;
	[bflag:$0x2] =	sbarrier.arrive $0xFFFF  }
0x142: {  	p0 =	sne.s32 s0, $0x0;
	s0 =	rddreg [dreg:$0x5]  }
0x143: {  	s0 =	sadd.s32 @!p0 $0x100000, s0  }
0x144: {  	[sflag:s0] =	ssyncadd.tile.s32 @!p0 $0x1;
	_ =	shalt  }
.Lfunc_end2:
_tile_overlayer_lowered:
.L_overlay_start_2:
0x145: {  	(tag) =	ssettag $0x2  }
0x146: {  	s0 =	rddreg [dreg:$0x0];
	s2 =	stileid.u32  }
0x147: {  	s1 =	rddreg [dreg:$0x1];
	p0 =	sne.s32 s2, $0x0  }
0x148: {  	s3 =	rddreg [dreg:$0x2];
	[bflag:$0x3] =	sbarrier.arrive $0xFFFF;
	s2 =	simm.s32 @!p0 $0x1C02  }
0x149: {  	[timem:s3], [sflag:s2] =	dma.local @!p0 [hbm:s0], s1  }
0x14a: {  	s0 =	simm.s32 @!p0 $0x2  }
0x14b: {  	_ =	swait.ge @!p0 [sflag:s0], s1  }
0x14c: {  	s1 =	ssub.s32 @!p0 $0x0, s1;
	[sflag:s0] =	ssyncset.done @!p0 $0x0  }
0x14d: {  	[sflag:s0] =	ssyncadd.s32 @!p0 s1  }
0x14e: {  	[bflag:$0x3] =	sbarrier.arrive $0xFFFF  }
0x14f: {  	_ =	shalt  }

</sc_bundles>
